<compile_context>
chip_gen: v7x
topology: tpu7x:2x2x1
jax: 0.10.2.dev20260603
libtpu: 0.0.44.dev20260713+nightly
codegen_flags: <defaults>
</compile_context>

<pallas_src>
import functools

import jax
import jax.numpy as jnp
from jax import lax
from jax.experimental import pallas as pl
from jax.experimental.pallas import tpu as pltpu
from jax.experimental.pallas import tpu_sc as plsc

N_NODES = 10000
N_EDGES = 320000
NC = 2
NS = 16
NW = NC * NS
EPW = N_EDGES // NW
CHUNK = 50
NCHUNK = EPW // CHUNK
ROWS_PER_TILE = 624
TAIL_ROWS = N_NODES - NS * ROWS_PER_TILE
TAIL_OFF = NS * ROWS_PER_TILE

BM = 1000


def _sc_segment_sum(msg, src, dst, zeros, d):
    mesh = plsc.VectorSubcoreMesh(
        core_axis_name="c", subcore_axis_name="s", num_cores=NC, num_subcores=NS
    )

    @functools.partial(
        pl.kernel,
        out_type=jax.ShapeDtypeStruct((NC, N_NODES, d), jnp.float32),
        mesh=mesh,
        scratch_types=[
            pltpu.VMEM((NCHUNK, CHUNK), jnp.int32),
            pltpu.VMEM((NCHUNK, CHUNK), jnp.int32),
            pltpu.VMEM((CHUNK, d), jnp.float32),
            pltpu.VMEM((CHUNK, d), jnp.float32),
            pltpu.VMEM((CHUNK, d), jnp.float32),
            pltpu.VMEM((CHUNK, d), jnp.float32),
            pltpu.VMEM_SHARED((N_NODES, d), jnp.float32),
            pltpu.SemaphoreType.DMA,
            pltpu.SemaphoreType.DMA,
        ],
        compiler_params=pltpu.CompilerParams(use_tc_tiling_on_sc=False),
    )
    def seg_kernel(msg_hbm, src_hbm, dst_hbm, zeros_hbm, out_hbm, src_v, dst_v,
                   rows0_v, rows1_v, rows2_v, rows3_v, acc_sh, sem, sem_s):
        c = lax.axis_index("c")
        s = lax.axis_index("s")
        w = c * NS + s
        r0 = s * ROWS_PER_TILE
        rows = (rows0_v, rows1_v, rows2_v, rows3_v)

        pltpu.sync_copy(src_hbm.at[w], src_v)
        pltpu.sync_copy(dst_hbm.at[w], dst_v)

        pltpu.sync_copy(
            zeros_hbm.at[pl.ds(r0, ROWS_PER_TILE)],
            acc_sh.at[pl.ds(r0, ROWS_PER_TILE)],
        )

        @pl.when(s == NS - 1)
        def _():
            pltpu.sync_copy(
                zeros_hbm.at[pl.ds(TAIL_OFF, TAIL_ROWS)],
                acc_sh.at[pl.ds(TAIL_OFF, TAIL_ROWS)],
            )

        plsc.subcore_barrier()

        pltpu.async_copy(msg_hbm.at[src_v.at[0]], rows[0], sem)
        pltpu.async_copy(msg_hbm.at[src_v.at[1]], rows[1], sem)

        def body(i, carry):
            for k in range(4):
                j = 4 * i + k
                rb = rows[k]
                rn = rows[(k + 2) % 4]
                pltpu.make_async_copy(msg_hbm.at[src_v.at[j]], rb, sem).wait()
                pltpu.async_copy(rb, acc_sh.at[dst_v.at[j]], sem_s, add=True)
                jm = jnp.maximum(j - 2, 0)

                @pl.when(j >= 2)
                def _():
                    pltpu.make_async_copy(
                        rn, acc_sh.at[dst_v.at[jm]], sem_s).wait()

                jn = jnp.minimum(j + 2, NCHUNK - 1)

                @pl.when(j + 2 < NCHUNK)
                def _():
                    pltpu.async_copy(msg_hbm.at[src_v.at[jn]], rn, sem)
            return carry

        lax.fori_loop(0, NCHUNK // 4, body, 0)
        pltpu.make_async_copy(
            rows[(NCHUNK - 2) % 4],
            acc_sh.at[dst_v.at[NCHUNK - 2]], sem_s).wait()
        pltpu.make_async_copy(
            rows[(NCHUNK - 1) % 4],
            acc_sh.at[dst_v.at[NCHUNK - 1]], sem_s).wait()
        plsc.subcore_barrier()
        pltpu.sync_copy(
            acc_sh.at[pl.ds(r0, ROWS_PER_TILE)],
            out_hbm.at[c, pl.ds(r0, ROWS_PER_TILE)],
        )

        @pl.when(s == NS - 1)
        def _():
            pltpu.sync_copy(
                acc_sh.at[pl.ds(TAIL_OFF, TAIL_ROWS)],
                out_hbm.at[c, pl.ds(TAIL_OFF, TAIL_ROWS)],
            )

    return seg_kernel(msg, src, dst, zeros)


def _mm_body(x_ref, w_ref, o_ref):
    o_ref[...] = jnp.dot(x_ref[...], w_ref[...],
                         preferred_element_type=jnp.float32)


def _matmul(x, w):
    m, k = x.shape
    n = w.shape[1]
    return pl.pallas_call(
        _mm_body,
        grid=(m // BM,),
        in_specs=[
            pl.BlockSpec((BM, k), lambda i: (i, 0)),
            pl.BlockSpec((k, n), lambda i: (0, 0)),
        ],
        out_specs=pl.BlockSpec((BM, n), lambda i: (i, 0)),
        out_shape=jax.ShapeDtypeStruct((m, n), jnp.float32),
    )(x, w)


def _relu_mm_body(p_ref, b_ref, w_ref, o_ref):
    h = jnp.maximum(p_ref[0] + p_ref[1] + b_ref[...], 0.0)
    o_ref[...] = jnp.dot(h, w_ref[...], preferred_element_type=jnp.float32)


def _relu_matmul(partials, b, w):
    _, m, k = partials.shape
    n = w.shape[1]
    return pl.pallas_call(
        _relu_mm_body,
        grid=(m // BM,),
        in_specs=[
            pl.BlockSpec((2, BM, k), lambda i: (0, i, 0)),
            pl.BlockSpec((1, k), lambda i: (0, 0)),
            pl.BlockSpec((k, n), lambda i: (0, 0)),
        ],
        out_specs=pl.BlockSpec((BM, n), lambda i: (i, 0)),
        out_shape=jax.ShapeDtypeStruct((m, n), jnp.float32),
    )(partials, b.reshape(1, k), w)


def _decoder_body(p_ref, b_ref, eps_ref, o_ref):
    i = pl.program_id(0)
    z = p_ref[0] + p_ref[1] + b_ref[...]
    z = z + jnp.sqrt(jnp.exp(z)) * eps_ref[...]
    g = lax.dot_general(z, z, (((0,), (0,)), ((), ())),
                        preferred_element_type=jnp.float32)

    @pl.when(i == 0)
    def _():
        o_ref[...] = g

    @pl.when(i > 0)
    def _():
        o_ref[...] += g

    @pl.when(i == pl.num_programs(0) - 1)
    def _():
        o_ref[...] = jax.nn.sigmoid(o_ref[...])


def _decoder(partials, b, eps):
    _, m, dz = partials.shape
    return pl.pallas_call(
        _decoder_body,
        grid=(m // BM,),
        in_specs=[
            pl.BlockSpec((2, BM, dz), lambda i: (0, i, 0)),
            pl.BlockSpec((1, dz), lambda i: (0, 0)),
            pl.BlockSpec((BM, dz), lambda i: (i, 0)),
        ],
        out_specs=pl.BlockSpec((dz, dz), lambda i: (0, 0)),
        out_shape=jax.ShapeDtypeStruct((dz, dz), jnp.float32),
    )(partials, b.reshape(1, dz), eps)


def kernel(X, edge_index, W1, b1, W2, b2, eps):
    d_h = W1.shape[1]
    d_z = W2.shape[1]
    zeros_h = jnp.zeros((N_NODES, d_h), jnp.float32)
    zeros_z = jnp.zeros((N_NODES, d_z), jnp.float32)
    src = edge_index[0].reshape(NW, NCHUNK, CHUNK)
    dst = edge_index[1].reshape(NW, NCHUNK, CHUNK)

    msg1 = _matmul(X, W1)
    part1 = _sc_segment_sum(msg1, src, dst, zeros_h, d_h)
    msg2 = _relu_matmul(part1, b1, W2)
    part2 = _sc_segment_sum(msg2, src, dst, zeros_z, d_z)
    G = _decoder(part2, b2, eps)
    return G.reshape(-1)

# --- scband reference (transcript-rebuilt; emitter-appended) ---
"""Pipeline reference for scband-gcn-vae-26164940767659 (READ-ONLY COPY).

The authoritative reference and input builder live on the scoring server;
editing this copy changes nothing except your own understanding.
"""

import jax, jax.numpy as jnp
import numpy as np

N_NODES = 10000
N_EDGES = 320000
D_IN = 128
D_H = 128
D_Z = 64


def _gcn_conv(x, W, b, src, dst, num_nodes):
    # PyG GCNConv with normalize=False: transform, gather at src, scatter-add to dst, add bias
    msg = x @ W
    gathered = jnp.take(msg, src, axis=0)
    agg = jax.ops.segment_sum(gathered, dst, num_segments=num_nodes)
    return agg + b


def setup_inputs(seed: int = 0):
    key = jax.random.key(seed)
    k1, k2, k3, k4, k5 = jax.random.split(key, 5)
    X = jax.random.normal(k1, (N_NODES, D_IN), dtype=jnp.float32)
    edge_index = jax.random.randint(k2, (2, N_EDGES), 0, N_NODES, dtype=jnp.int32)
    # GCN layer parameters (glorot-ish scale)
    W1 = jax.random.normal(k3, (D_IN, D_H), dtype=jnp.float32) * (1.0 / np.sqrt(D_IN))
    b1 = jnp.zeros((D_H,), dtype=jnp.float32)
    W2 = jax.random.normal(k4, (D_H, D_Z), dtype=jnp.float32) * (1.0 / np.sqrt(D_H))
    b2 = jnp.zeros((D_Z,), dtype=jnp.float32)
    # reparameterization noise for torch.normal(Z_mean, Z_std)
    eps = jax.random.normal(k5, (N_NODES, D_Z), dtype=jnp.float32)
    return {"X": X, "edge_index": edge_index, "W1": W1, "b1": b1, "W2": W2, "b2": b2, "eps": eps}


def reference(X, edge_index, W1, b1, W2, b2, eps):
    src = edge_index[0]
    dst = edge_index[1]
    n = X.shape[0]
    # encoder
    h = _gcn_conv(X, W1, b1, src, dst, n)
    h = jax.nn.relu(h)
    z_mean = _gcn_conv(h, W2, b2, src, dst, n)
    z_logstd = _gcn_conv(h, W2, b2, src, dst, n)  # same layer applied twice, as in the original
    z_std = jnp.sqrt(jnp.exp(z_logstd))
    Z = z_mean + z_std * eps  # torch.normal(mean, std) reparameterized
    # decoder
    Y_inner = (Z.T @ Z).reshape(-1)
    Y = jax.nn.sigmoid(Y_inner)
    return Y

if __name__ == "__main__":
    import jax
    _d = setup_inputs()
    print(jax.jit(kernel)(*tuple(_d.values())))

</pallas_src>

<mosaic_0001>
#map = affine_map<(d0, d1) -> (0, 0)>
#map1 = affine_map<(d0, d1) -> (0, 0, 0)>
module attributes {stable_mosaic.version = 14 : i64} {
  func.func @seg_kernel(%arg0: i32, %arg1: i32, %arg2: memref<10000x128xf32, #tpu.memory_space<hbm>>, %arg3: memref<32x200x50xi32, #tpu.memory_space<hbm>>, %arg4: memref<32x200x50xi32, #tpu.memory_space<hbm>>, %arg5: memref<10000x128xf32, #tpu.memory_space<hbm>>, %arg6: memref<2x10000x128xf32, #tpu.memory_space<hbm>>, %arg7: memref<200x50xi32, #tpu.memory_space<vmem>>, %arg8: memref<200x50xi32, #tpu.memory_space<vmem>>, %arg9: memref<50x128xf32, #tpu.memory_space<vmem>>, %arg10: memref<50x128xf32, #tpu.memory_space<vmem>>, %arg11: memref<50x128xf32, #tpu.memory_space<vmem>>, %arg12: memref<50x128xf32, #tpu.memory_space<vmem>>, %arg13: memref<10000x128xf32, #tpu.memory_space<vmem_shared>>, %arg14: memref<!tpu.dma_semaphore, #tpu.memory_space<semaphore_mem>>, %arg15: memref<!tpu.dma_semaphore, #tpu.memory_space<semaphore_mem>>) attributes {dimension_semantics = [#tpu.dimension_semantics<core_parallel>, #tpu.dimension_semantics<subcore_parallel>], iteration_bounds = array<i64: 2, 16>, scalar_prefetch = 0 : i64, scratch_operands = 9 : i64, tpu.core_type = #tpu.core_type<sc_vector_subcore>, window_params = [{transform_indices = #map}, {transform_indices = #map1}, {transform_indices = #map1}, {transform_indices = #map}, {transform_indices = #map1}]} {
    %mul3A = arith.constant 16 : i32
    %mul3A_0 = arith.muli %arg0, %mul3A : i32
    %add3A = arith.addi %mul3A_0, %arg1 : i32
    %mul3A_1 = arith.constant 624 : i32
    %mul3A_2 = arith.muli %arg1, %mul3A_1 : i32
    "tpu.region"() ({
      %run_scoped3A = tpu.sem_alloc : memref<!tpu.dma_semaphore, #tpu.memory_space<semaphore_mem>>
      %dma_start3A_42 = arith.constant 0 : i32
      %dma_start3A_43 = arith.constant 0 : i32
      %dma_start3A_44 = tpu.memref_slice %arg3[%add3A, %dma_start3A_42, %dma_start3A_43] : memref<32x200x50xi32, #tpu.memory_space<hbm>> -> memref<1x200x50xi32, #tpu.memory_space<hbm>>
      %dma_start3A_45 = tpu.memref_squeeze %dma_start3A_44 : memref<1x200x50xi32, #tpu.memory_space<hbm>> -> memref<200x50xi32, #tpu.memory_space<hbm>>
      %dma_start3A_46 = arith.constant 0 : i32
      %dma_start3A_47 = arith.constant 0 : i32
      %dma_start3A_48 = tpu.memref_slice %arg3[%add3A, %dma_start3A_46, %dma_start3A_47] : memref<32x200x50xi32, #tpu.memory_space<hbm>> -> memref<1x200x50xi32, #tpu.memory_space<hbm>>
      %dma_start3A_49 = tpu.memref_squeeze %dma_start3A_48 : memref<1x200x50xi32, #tpu.memory_space<hbm>> -> memref<200x50xi32, #tpu.memory_space<hbm>>
      tpu.enqueue_dma source(%dma_start3A_49 : memref<200x50xi32, #tpu.memory_space<hbm>>) target(%arg7 : memref<200x50xi32, #tpu.memory_space<vmem>>) target_semaphore(%run_scoped3A : memref<!tpu.dma_semaphore, #tpu.memory_space<semaphore_mem>>)
      %dma_wait3A_50 = arith.constant 0 : i32
      %dma_wait3A_51 = arith.constant 0 : i32
      %dma_wait3A_52 = tpu.memref_slice %arg3[%add3A, %dma_wait3A_50, %dma_wait3A_51] : memref<32x200x50xi32, #tpu.memory_space<hbm>> -> memref<1x200x50xi32, #tpu.memory_space<hbm>>
      %dma_wait3A_53 = tpu.memref_squeeze %dma_wait3A_52 : memref<1x200x50xi32, #tpu.memory_space<hbm>> -> memref<200x50xi32, #tpu.memory_space<hbm>>
      %dma_wait3A_54 = arith.constant 0 : i32
      %dma_wait3A_55 = arith.constant 0 : i32
      %dma_wait3A_56 = tpu.memref_slice %arg3[%add3A, %dma_wait3A_54, %dma_wait3A_55] : memref<32x200x50xi32, #tpu.memory_space<hbm>> -> memref<1x200x50xi32, #tpu.memory_space<hbm>>
      %dma_wait3A_57 = tpu.memref_squeeze %dma_wait3A_56 : memref<1x200x50xi32, #tpu.memory_space<hbm>> -> memref<200x50xi32, #tpu.memory_space<hbm>>
      tpu.wait_dma2 semaphore(%run_scoped3A : memref<!tpu.dma_semaphore, #tpu.memory_space<semaphore_mem>>) src(%dma_wait3A_57 : memref<200x50xi32, #tpu.memory_space<hbm>>) dst(%arg7 : memref<200x50xi32, #tpu.memory_space<vmem>>)
      tpu.yield
    }) : () -> ()
    "tpu.region"() ({
      %run_scoped3A = tpu.sem_alloc : memref<!tpu.dma_semaphore, #tpu.memory_space<semaphore_mem>>
      %dma_start3A_42 = arith.constant 0 : i32
      %dma_start3A_43 = arith.constant 0 : i32
      %dma_start3A_44 = tpu.memref_slice %arg4[%add3A, %dma_start3A_42, %dma_start3A_43] : memref<32x200x50xi32, #tpu.memory_space<hbm>> -> memref<1x200x50xi32, #tpu.memory_space<hbm>>
      %dma_start3A_45 = tpu.memref_squeeze %dma_start3A_44 : memref<1x200x50xi32, #tpu.memory_space<hbm>> -> memref<200x50xi32, #tpu.memory_space<hbm>>
      %dma_start3A_46 = arith.constant 0 : i32
      %dma_start3A_47 = arith.constant 0 : i32
      %dma_start3A_48 = tpu.memref_slice %arg4[%add3A, %dma_start3A_46, %dma_start3A_47] : memref<32x200x50xi32, #tpu.memory_space<hbm>> -> memref<1x200x50xi32, #tpu.memory_space<hbm>>
      %dma_start3A_49 = tpu.memref_squeeze %dma_start3A_48 : memref<1x200x50xi32, #tpu.memory_space<hbm>> -> memref<200x50xi32, #tpu.memory_space<hbm>>
      tpu.enqueue_dma source(%dma_start3A_49 : memref<200x50xi32, #tpu.memory_space<hbm>>) target(%arg8 : memref<200x50xi32, #tpu.memory_space<vmem>>) target_semaphore(%run_scoped3A : memref<!tpu.dma_semaphore, #tpu.memory_space<semaphore_mem>>)
      %dma_wait3A_50 = arith.constant 0 : i32
      %dma_wait3A_51 = arith.constant 0 : i32
      %dma_wait3A_52 = tpu.memref_slice %arg4[%add3A, %dma_wait3A_50, %dma_wait3A_51] : memref<32x200x50xi32, #tpu.memory_space<hbm>> -> memref<1x200x50xi32, #tpu.memory_space<hbm>>
      %dma_wait3A_53 = tpu.memref_squeeze %dma_wait3A_52 : memref<1x200x50xi32, #tpu.memory_space<hbm>> -> memref<200x50xi32, #tpu.memory_space<hbm>>
      %dma_wait3A_54 = arith.constant 0 : i32
      %dma_wait3A_55 = arith.constant 0 : i32
      %dma_wait3A_56 = tpu.memref_slice %arg4[%add3A, %dma_wait3A_54, %dma_wait3A_55] : memref<32x200x50xi32, #tpu.memory_space<hbm>> -> memref<1x200x50xi32, #tpu.memory_space<hbm>>
      %dma_wait3A_57 = tpu.memref_squeeze %dma_wait3A_56 : memref<1x200x50xi32, #tpu.memory_space<hbm>> -> memref<200x50xi32, #tpu.memory_space<hbm>>
      tpu.wait_dma2 semaphore(%run_scoped3A : memref<!tpu.dma_semaphore, #tpu.memory_space<semaphore_mem>>) src(%dma_wait3A_57 : memref<200x50xi32, #tpu.memory_space<hbm>>) dst(%arg8 : memref<200x50xi32, #tpu.memory_space<vmem>>)
      tpu.yield
    }) : () -> ()
    "tpu.region"() ({
      %run_scoped3A = tpu.sem_alloc : memref<!tpu.dma_semaphore, #tpu.memory_space<semaphore_mem>>
      %dma_start3A_42 = arith.constant 0 : i32
      %dma_start3A_43 = tpu.memref_slice %arg13[%mul3A_2, %dma_start3A_42] : memref<10000x128xf32, #tpu.memory_space<vmem_shared>> -> memref<624x128xf32, #tpu.memory_space<vmem_shared>>
      %dma_start3A_44 = arith.constant 0 : i32
      %dma_start3A_45 = tpu.memref_slice %arg5[%mul3A_2, %dma_start3A_44] : memref<10000x128xf32, #tpu.memory_space<hbm>> -> memref<624x128xf32, #tpu.memory_space<hbm>>
      tpu.enqueue_dma source(%dma_start3A_45 : memref<624x128xf32, #tpu.memory_space<hbm>>) target(%dma_start3A_43 : memref<624x128xf32, #tpu.memory_space<vmem_shared>>) target_semaphore(%run_scoped3A : memref<!tpu.dma_semaphore, #tpu.memory_space<semaphore_mem>>)
      %dma_wait3A_46 = arith.constant 0 : i32
      %dma_wait3A_47 = tpu.memref_slice %arg13[%mul3A_2, %dma_wait3A_46] : memref<10000x128xf32, #tpu.memory_space<vmem_shared>> -> memref<624x128xf32, #tpu.memory_space<vmem_shared>>
      %dma_wait3A_48 = arith.constant 0 : i32
      %dma_wait3A_49 = tpu.memref_slice %arg5[%mul3A_2, %dma_wait3A_48] : memref<10000x128xf32, #tpu.memory_space<hbm>> -> memref<624x128xf32, #tpu.memory_space<hbm>>
      tpu.wait_dma2 semaphore(%run_scoped3A : memref<!tpu.dma_semaphore, #tpu.memory_space<semaphore_mem>>) src(%dma_wait3A_49 : memref<624x128xf32, #tpu.memory_space<hbm>>) dst(%dma_wait3A_47 : memref<624x128xf32, #tpu.memory_space<vmem_shared>>)
      tpu.yield
    }) : () -> ()
    %eq3A = arith.constant 15 : i32
    %eq3A_3 = arith.cmpi eq, %arg1, %eq3A : i32
    %convert_element_type3A = arith.extui %eq3A_3 : i1 to i32
    %cond3A = arith.constant 0 : i32
    %cond3A_4 = arith.cmpi ne, %convert_element_type3A, %cond3A : i32
    scf.if %cond3A_4 {
      "tpu.region"() ({
        %run_scoped3A = tpu.sem_alloc : memref<!tpu.dma_semaphore, #tpu.memory_space<semaphore_mem>>
        %dma_start3A_42 = arith.constant 9984 : i32
        %dma_start3A_43 = arith.constant 0 : i32
        %dma_start3A_44 = tpu.memref_slice %arg13[%dma_start3A_42, %dma_start3A_43] : memref<10000x128xf32, #tpu.memory_space<vmem_shared>> -> memref<16x128xf32, #tpu.memory_space<vmem_shared>>
        %dma_start3A_45 = arith.constant 9984 : i32
        %dma_start3A_46 = arith.constant 0 : i32
        %dma_start3A_47 = tpu.memref_slice %arg5[%dma_start3A_45, %dma_start3A_46] : memref<10000x128xf32, #tpu.memory_space<hbm>> -> memref<16x128xf32, #tpu.memory_space<hbm>>
        tpu.enqueue_dma source(%dma_start3A_47 : memref<16x128xf32, #tpu.memory_space<hbm>>) target(%dma_start3A_44 : memref<16x128xf32, #tpu.memory_space<vmem_shared>>) target_semaphore(%run_scoped3A : memref<!tpu.dma_semaphore, #tpu.memory_space<semaphore_mem>>)
        %dma_wait3A_48 = arith.constant 9984 : i32
        %dma_wait3A_49 = arith.constant 0 : i32
        %dma_wait3A_50 = tpu.memref_slice %arg13[%dma_wait3A_48, %dma_wait3A_49] : memref<10000x128xf32, #tpu.memory_space<vmem_shared>> -> memref<16x128xf32, #tpu.memory_space<vmem_shared>>
        %dma_wait3A_51 = arith.constant 9984 : i32
        %dma_wait3A_52 = arith.constant 0 : i32
        %dma_wait3A_53 = tpu.memref_slice %arg5[%dma_wait3A_51, %dma_wait3A_52] : memref<10000x128xf32, #tpu.memory_space<hbm>> -> memref<16x128xf32, #tpu.memory_space<hbm>>
        tpu.wait_dma2 semaphore(%run_scoped3A : memref<!tpu.dma_semaphore, #tpu.memory_space<semaphore_mem>>) src(%dma_wait3A_53 : memref<16x128xf32, #tpu.memory_space<hbm>>) dst(%dma_wait3A_50 : memref<16x128xf32, #tpu.memory_space<vmem_shared>>)
        tpu.yield
      }) : () -> ()
    } else {
    }
    %barrier3A = arith.constant 0 : index
    tpu.barrier barrier_id(%barrier3A)
    %dma_start3A = arith.constant 0 : i32
    %dma_start3A_5 = arith.constant 0 : i32
    %dma_start3A_6 = tpu.memref_slice %arg7[%dma_start3A, %dma_start3A_5] : memref<200x50xi32, #tpu.memory_space<vmem>> -> memref<1x50xi32, #tpu.memory_space<vmem>>
    %dma_start3A_7 = tpu.memref_squeeze %dma_start3A_6 : memref<1x50xi32, #tpu.memory_space<vmem>> -> memref<50xi32, #tpu.memory_space<vmem>>
    %dma_start3A_8 = arith.constant 0 : i32
    %dma_start3A_9 = arith.constant 0 : i32
    %dma_start3A_10 = tpu.memref_slice %arg2[%dma_start3A_8, %dma_start3A_9] : memref<10000x128xf32, #tpu.memory_space<hbm>> -> memref<10000x128xf32, #tpu.memory_space<hbm>>
    tpu.enqueue_indirect_dma source(%dma_start3A_10 : memref<10000x128xf32, #tpu.memory_space<hbm>>) target(%arg9 : memref<50x128xf32, #tpu.memory_space<vmem>>) offsets(%dma_start3A_7 : memref<50xi32, #tpu.memory_space<vmem>>) semaphore(%arg14 : memref<!tpu.dma_semaphore, #tpu.memory_space<semaphore_mem>>)
    %dma_start3A_11 = arith.constant 1 : i32
    %dma_start3A_12 = arith.constant 0 : i32
    %dma_start3A_13 = tpu.memref_slice %arg7[%dma_start3A_11, %dma_start3A_12] : memref<200x50xi32, #tpu.memory_space<vmem>> -> memref<1x50xi32, #tpu.memory_space<vmem>>
    %dma_start3A_14 = tpu.memref_squeeze %dma_start3A_13 : memref<1x50xi32, #tpu.memory_space<vmem>> -> memref<50xi32, #tpu.memory_space<vmem>>
    %dma_start3A_15 = arith.constant 0 : i32
    %dma_start3A_16 = arith.constant 0 : i32
    %dma_start3A_17 = tpu.memref_slice %arg2[%dma_start3A_15, %dma_start3A_16] : memref<10000x128xf32, #tpu.memory_space<hbm>> -> memref<10000x128xf32, #tpu.memory_space<hbm>>
    tpu.enqueue_indirect_dma source(%dma_start3A_17 : memref<10000x128xf32, #tpu.memory_space<hbm>>) target(%arg10 : memref<50x128xf32, #tpu.memory_space<vmem>>) offsets(%dma_start3A_14 : memref<50xi32, #tpu.memory_space<vmem>>) semaphore(%arg14 : memref<!tpu.dma_semaphore, #tpu.memory_space<semaphore_mem>>)
    %scan3A = arith.constant 0 : i32
    %scan3A_18 = arith.constant 0 : i32
    %scan3A_19 = arith.constant 50 : i32
    %scan3A_20 = arith.addi %scan3A_18, %scan3A_19 : i32
    %scan3A_21 = arith.constant 1 : i32
    scf.for %scan3A_42 = %scan3A_18 to %scan3A_20 step %scan3A_21  : i32 {
      %mul3A_43 = arith.constant 4 : i32
      %mul3A_44 = arith.muli %mul3A_43, %scan3A_42 : i32
      %add3A_45 = arith.constant 0 : i32
      %add3A_46 = arith.addi %mul3A_44, %add3A_45 : i32
      %dma_wait3A_47 = arith.constant 0 : i32
      %dma_wait3A_48 = tpu.memref_slice %arg7[%add3A_46, %dma_wait3A_47] : memref<200x50xi32, #tpu.memory_space<vmem>> -> memref<1x50xi32, #tpu.memory_space<vmem>>
      %dma_wait3A_49 = tpu.memref_squeeze %dma_wait3A_48 : memref<1x50xi32, #tpu.memory_space<vmem>> -> memref<50xi32, #tpu.memory_space<vmem>>
      %dma_wait3A_50 = arith.constant 0 : i32
      %dma_wait3A_51 = arith.constant 0 : i32
      %dma_wait3A_52 = tpu.memref_slice %arg2[%dma_wait3A_50, %dma_wait3A_51] : memref<10000x128xf32, #tpu.memory_space<hbm>> -> memref<10000x128xf32, #tpu.memory_space<hbm>>
      tpu.wait_indirect_dma semaphore(%arg14 : memref<!tpu.dma_semaphore, #tpu.memory_space<semaphore_mem>>) src(%dma_wait3A_52 : memref<10000x128xf32, #tpu.memory_space<hbm>>) dst(%arg9 : memref<50x128xf32, #tpu.memory_space<vmem>>)
      %dma_start3A_53 = arith.constant 0 : i32
      %dma_start3A_54 = tpu.memref_slice %arg8[%add3A_46, %dma_start3A_53] : memref<200x50xi32, #tpu.memory_space<vmem>> -> memref<1x50xi32, #tpu.memory_space<vmem>>
      %dma_start3A_55 = tpu.memref_squeeze %dma_start3A_54 : memref<1x50xi32, #tpu.memory_space<vmem>> -> memref<50xi32, #tpu.memory_space<vmem>>
      %dma_start3A_56 = arith.constant 0 : i32
      %dma_start3A_57 = arith.constant 0 : i32
      %dma_start3A_58 = tpu.memref_slice %arg13[%dma_start3A_56, %dma_start3A_57] : memref<10000x128xf32, #tpu.memory_space<vmem_shared>> -> memref<10000x128xf32, #tpu.memory_space<vmem_shared>>
      tpu.enqueue_indirect_dma source(%arg9 : memref<50x128xf32, #tpu.memory_space<vmem>>) target(%dma_start3A_58 : memref<10000x128xf32, #tpu.memory_space<vmem_shared>>) offsets(%dma_start3A_55 : memref<50xi32, #tpu.memory_space<vmem>>) semaphore(%arg15 : memref<!tpu.dma_semaphore, #tpu.memory_space<semaphore_mem>>) {add = true}
      %sub3A = arith.constant 2 : i32
      %sub3A_59 = arith.subi %add3A_46, %sub3A : i32
      %max3A = arith.constant 0 : i32
      %max3A_60 = arith.maxsi %sub3A_59, %max3A : i32
      %ge3A = arith.constant 2 : i32
      %ge3A_61 = arith.cmpi sge, %add3A_46, %ge3A : i32
      %convert_element_type3A_62 = arith.extui %ge3A_61 : i1 to i32
      %cond3A_63 = arith.constant 0 : i32
      %cond3A_64 = arith.cmpi ne, %convert_element_type3A_62, %cond3A_63 : i32
      scf.if %cond3A_64 {
        %dma_wait3A_182 = arith.constant 0 : i32
        %dma_wait3A_183 = tpu.memref_slice %arg8[%max3A_60, %dma_wait3A_182] : memref<200x50xi32, #tpu.memory_space<vmem>> -> memref<1x50xi32, #tpu.memory_space<vmem>>
        %dma_wait3A_184 = tpu.memref_squeeze %dma_wait3A_183 : memref<1x50xi32, #tpu.memory_space<vmem>> -> memref<50xi32, #tpu.memory_space<vmem>>
        %dma_wait3A_185 = arith.constant 0 : i32
        %dma_wait3A_186 = arith.constant 0 : i32
        %dma_wait3A_187 = tpu.memref_slice %arg13[%dma_wait3A_185, %dma_wait3A_186] : memref<10000x128xf32, #tpu.memory_space<vmem_shared>> -> memref<10000x128xf32, #tpu.memory_space<vmem_shared>>
        tpu.wait_indirect_dma semaphore(%arg15 : memref<!tpu.dma_semaphore, #tpu.memory_space<semaphore_mem>>) src(%arg11 : memref<50x128xf32, #tpu.memory_space<vmem>>) dst(%dma_wait3A_187 : memref<10000x128xf32, #tpu.memory_space<vmem_shared>>)
      } else {
      }
      %add3A_65 = arith.constant 2 : i32
      %add3A_66 = arith.addi %add3A_46, %add3A_65 : i32
      %min3A = arith.constant 199 : i32
      %min3A_67 = arith.minsi %add3A_66, %min3A : i32
      %add3A_68 = arith.constant 2 : i32
      %add3A_69 = arith.addi %add3A_46, %add3A_68 : i32
      %lt3A = arith.constant 200 : i32
      %lt3A_70 = arith.cmpi slt, %add3A_69, %lt3A : i32
      %convert_element_type3A_71 = arith.extui %lt3A_70 : i1 to i32
      %cond3A_72 = arith.constant 0 : i32
      %cond3A_73 = arith.cmpi ne, %convert_element_type3A_71, %cond3A_72 : i32
      scf.if %cond3A_73 {
        %dma_start3A_182 = arith.constant 0 : i32
        %dma_start3A_183 = tpu.memref_slice %arg7[%min3A_67, %dma_start3A_182] : memref<200x50xi32, #tpu.memory_space<vmem>> -> memref<1x50xi32, #tpu.memory_space<vmem>>
        %dma_start3A_184 = tpu.memref_squeeze %dma_start3A_183 : memref<1x50xi32, #tpu.memory_space<vmem>> -> memref<50xi32, #tpu.memory_space<vmem>>
        %dma_start3A_185 = arith.constant 0 : i32
        %dma_start3A_186 = arith.constant 0 : i32
        %dma_start3A_187 = tpu.memref_slice %arg2[%dma_start3A_185, %dma_start3A_186] : memref<10000x128xf32, #tpu.memory_space<hbm>> -> memref<10000x128xf32, #tpu.memory_space<hbm>>
        tpu.enqueue_indirect_dma source(%dma_start3A_187 : memref<10000x128xf32, #tpu.memory_space<hbm>>) target(%arg11 : memref<50x128xf32, #tpu.memory_space<vmem>>) offsets(%dma_start3A_184 : memref<50xi32, #tpu.memory_space<vmem>>) semaphore(%arg14 : memref<!tpu.dma_semaphore, #tpu.memory_space<semaphore_mem>>)
      } else {
      }
      %mul3A_74 = arith.constant 4 : i32
      %mul3A_75 = arith.muli %mul3A_74, %scan3A_42 : i32
      %add3A_76 = arith.constant 1 : i32
      %add3A_77 = arith.addi %mul3A_75, %add3A_76 : i32
      %dma_wait3A_78 = arith.constant 0 : i32
      %dma_wait3A_79 = tpu.memref_slice %arg7[%add3A_77, %dma_wait3A_78] : memref<200x50xi32, #tpu.memory_space<vmem>> -> memref<1x50xi32, #tpu.memory_space<vmem>>
      %dma_wait3A_80 = tpu.memref_squeeze %dma_wait3A_79 : memref<1x50xi32, #tpu.memory_space<vmem>> -> memref<50xi32, #tpu.memory_space<vmem>>
      %dma_wait3A_81 = arith.constant 0 : i32
      %dma_wait3A_82 = arith.constant 0 : i32
      %dma_wait3A_83 = tpu.memref_slice %arg2[%dma_wait3A_81, %dma_wait3A_82] : memref<10000x128xf32, #tpu.memory_space<hbm>> -> memref<10000x128xf32, #tpu.memory_space<hbm>>
      tpu.wait_indirect_dma semaphore(%arg14 : memref<!tpu.dma_semaphore, #tpu.memory_space<semaphore_mem>>) src(%dma_wait3A_83 : memref<10000x128xf32, #tpu.memory_space<hbm>>) dst(%arg10 : memref<50x128xf32, #tpu.memory_space<vmem>>)
      %dma_start3A_84 = arith.constant 0 : i32
      %dma_start3A_85 = tpu.memref_slice %arg8[%add3A_77, %dma_start3A_84] : memref<200x50xi32, #tpu.memory_space<vmem>> -> memref<1x50xi32, #tpu.memory_space<vmem>>
      %dma_start3A_86 = tpu.memref_squeeze %dma_start3A_85 : memref<1x50xi32, #tpu.memory_space<vmem>> -> memref<50xi32, #tpu.memory_space<vmem>>
      %dma_start3A_87 = arith.constant 0 : i32
      %dma_start3A_88 = arith.constant 0 : i32
      %dma_start3A_89 = tpu.memref_slice %arg13[%dma_start3A_87, %dma_start3A_88] : memref<10000x128xf32, #tpu.memory_space<vmem_shared>> -> memref<10000x128xf32, #tpu.memory_space<vmem_shared>>
      tpu.enqueue_indirect_dma source(%arg10 : memref<50x128xf32, #tpu.memory_space<vmem>>) target(%dma_start3A_89 : memref<10000x128xf32, #tpu.memory_space<vmem_shared>>) offsets(%dma_start3A_86 : memref<50xi32, #tpu.memory_space<vmem>>) semaphore(%arg15 : memref<!tpu.dma_semaphore, #tpu.memory_space<semaphore_mem>>) {add = true}
      %sub3A_90 = arith.constant 2 : i32
      %sub3A_91 = arith.subi %add3A_77, %sub3A_90 : i32
      %max3A_92 = arith.constant 0 : i32
      %max3A_93 = arith.maxsi %sub3A_91, %max3A_92 : i32
      %ge3A_94 = arith.constant 2 : i32
      %ge3A_95 = arith.cmpi sge, %add3A_77, %ge3A_94 : i32
      %convert_element_type3A_96 = arith.extui %ge3A_95 : i1 to i32
      %cond3A_97 = arith.constant 0 : i32
      %cond3A_98 = arith.cmpi ne, %convert_element_type3A_96, %cond3A_97 : i32
      scf.if %cond3A_98 {
        %dma_wait3A_182 = arith.constant 0 : i32
        %dma_wait3A_183 = tpu.memref_slice %arg8[%max3A_93, %dma_wait3A_182] : memref<200x50xi32, #tpu.memory_space<vmem>> -> memref<1x50xi32, #tpu.memory_space<vmem>>
        %dma_wait3A_184 = tpu.memref_squeeze %dma_wait3A_183 : memref<1x50xi32, #tpu.memory_space<vmem>> -> memref<50xi32, #tpu.memory_space<vmem>>
        %dma_wait3A_185 = arith.constant 0 : i32
        %dma_wait3A_186 = arith.constant 0 : i32
        %dma_wait3A_187 = tpu.memref_slice %arg13[%dma_wait3A_185, %dma_wait3A_186] : memref<10000x128xf32, #tpu.memory_space<vmem_shared>> -> memref<10000x128xf32, #tpu.memory_space<vmem_shared>>
        tpu.wait_indirect_dma semaphore(%arg15 : memref<!tpu.dma_semaphore, #tpu.memory_space<semaphore_mem>>) src(%arg12 : memref<50x128xf32, #tpu.memory_space<vmem>>) dst(%dma_wait3A_187 : memref<10000x128xf32, #tpu.memory_space<vmem_shared>>)
      } else {
      }
      %add3A_99 = arith.constant 2 : i32
      %add3A_100 = arith.addi %add3A_77, %add3A_99 : i32
      %min3A_101 = arith.constant 199 : i32
      %min3A_102 = arith.minsi %add3A_100, %min3A_101 : i32
      %add3A_103 = arith.constant 2 : i32
      %add3A_104 = arith.addi %add3A_77, %add3A_103 : i32
      %lt3A_105 = arith.constant 200 : i32
      %lt3A_106 = arith.cmpi slt, %add3A_104, %lt3A_105 : i32
      %convert_element_type3A_107 = arith.extui %lt3A_106 : i1 to i32
      %cond3A_108 = arith.constant 0 : i32
      %cond3A_109 = arith.cmpi ne, %convert_element_type3A_107, %cond3A_108 : i32
      scf.if %cond3A_109 {
        %dma_start3A_182 = arith.constant 0 : i32
        %dma_start3A_183 = tpu.memref_slice %arg7[%min3A_102, %dma_start3A_182] : memref<200x50xi32, #tpu.memory_space<vmem>> -> memref<1x50xi32, #tpu.memory_space<vmem>>
        %dma_start3A_184 = tpu.memref_squeeze %dma_start3A_183 : memref<1x50xi32, #tpu.memory_space<vmem>> -> memref<50xi32, #tpu.memory_space<vmem>>
        %dma_start3A_185 = arith.constant 0 : i32
        %dma_start3A_186 = arith.constant 0 : i32
        %dma_start3A_187 = tpu.memref_slice %arg2[%dma_start3A_185, %dma_start3A_186] : memref<10000x128xf32, #tpu.memory_space<hbm>> -> memref<10000x128xf32, #tpu.memory_space<hbm>>
        tpu.enqueue_indirect_dma source(%dma_start3A_187 : memref<10000x128xf32, #tpu.memory_space<hbm>>) target(%arg12 : memref<50x128xf32, #tpu.memory_space<vmem>>) offsets(%dma_start3A_184 : memref<50xi32, #tpu.memory_space<vmem>>) semaphore(%arg14 : memref<!tpu.dma_semaphore, #tpu.memory_space<semaphore_mem>>)
      } else {
      }
      %mul3A_110 = arith.constant 4 : i32
      %mul3A_111 = arith.muli %mul3A_110, %scan3A_42 : i32
      %add3A_112 = arith.constant 2 : i32
      %add3A_113 = arith.addi %mul3A_111, %add3A_112 : i32
      %dma_wait3A_114 = arith.constant 0 : i32
      %dma_wait3A_115 = tpu.memref_slice %arg7[%add3A_113, %dma_wait3A_114] : memref<200x50xi32, #tpu.memory_space<vmem>> -> memref<1x50xi32, #tpu.memory_space<vmem>>
      %dma_wait3A_116 = tpu.memref_squeeze %dma_wait3A_115 : memref<1x50xi32, #tpu.memory_space<vmem>> -> memref<50xi32, #tpu.memory_space<vmem>>
      %dma_wait3A_117 = arith.constant 0 : i32
      %dma_wait3A_118 = arith.constant 0 : i32
      %dma_wait3A_119 = tpu.memref_slice %arg2[%dma_wait3A_117, %dma_wait3A_118] : memref<10000x128xf32, #tpu.memory_space<hbm>> -> memref<10000x128xf32, #tpu.memory_space<hbm>>
      tpu.wait_indirect_dma semaphore(%arg14 : memref<!tpu.dma_semaphore, #tpu.memory_space<semaphore_mem>>) src(%dma_wait3A_119 : memref<10000x128xf32, #tpu.memory_space<hbm>>) dst(%arg11 : memref<50x128xf32, #tpu.memory_space<vmem>>)
      %dma_start3A_120 = arith.constant 0 : i32
      %dma_start3A_121 = tpu.memref_slice %arg8[%add3A_113, %dma_start3A_120] : memref<200x50xi32, #tpu.memory_space<vmem>> -> memref<1x50xi32, #tpu.memory_space<vmem>>
      %dma_start3A_122 = tpu.memref_squeeze %dma_start3A_121 : memref<1x50xi32, #tpu.memory_space<vmem>> -> memref<50xi32, #tpu.memory_space<vmem>>
      %dma_start3A_123 = arith.constant 0 : i32
      %dma_start3A_124 = arith.constant 0 : i32
      %dma_start3A_125 = tpu.memref_slice %arg13[%dma_start3A_123, %dma_start3A_124] : memref<10000x128xf32, #tpu.memory_space<vmem_shared>> -> memref<10000x128xf32, #tpu.memory_space<vmem_shared>>
      tpu.enqueue_indirect_dma source(%arg11 : memref<50x128xf32, #tpu.memory_space<vmem>>) target(%dma_start3A_125 : memref<10000x128xf32, #tpu.memory_space<vmem_shared>>) offsets(%dma_start3A_122 : memref<50xi32, #tpu.memory_space<vmem>>) semaphore(%arg15 : memref<!tpu.dma_semaphore, #tpu.memory_space<semaphore_mem>>) {add = true}
      %sub3A_126 = arith.constant 2 : i32
      %sub3A_127 = arith.subi %add3A_113, %sub3A_126 : i32
      %max3A_128 = arith.constant 0 : i32
      %max3A_129 = arith.maxsi %sub3A_127, %max3A_128 : i32
      %ge3A_130 = arith.constant 2 : i32
      %ge3A_131 = arith.cmpi sge, %add3A_113, %ge3A_130 : i32
      %convert_element_type3A_132 = arith.extui %ge3A_131 : i1 to i32
      %cond3A_133 = arith.constant 0 : i32
      %cond3A_134 = arith.cmpi ne, %convert_element_type3A_132, %cond3A_133 : i32
      scf.if %cond3A_134 {
        %dma_wait3A_182 = arith.constant 0 : i32
        %dma_wait3A_183 = tpu.memref_slice %arg8[%max3A_129, %dma_wait3A_182] : memref<200x50xi32, #tpu.memory_space<vmem>> -> memref<1x50xi32, #tpu.memory_space<vmem>>
        %dma_wait3A_184 = tpu.memref_squeeze %dma_wait3A_183 : memref<1x50xi32, #tpu.memory_space<vmem>> -> memref<50xi32, #tpu.memory_space<vmem>>
        %dma_wait3A_185 = arith.constant 0 : i32
        %dma_wait3A_186 = arith.constant 0 : i32
        %dma_wait3A_187 = tpu.memref_slice %arg13[%dma_wait3A_185, %dma_wait3A_186] : memref<10000x128xf32, #tpu.memory_space<vmem_shared>> -> memref<10000x128xf32, #tpu.memory_space<vmem_shared>>
        tpu.wait_indirect_dma semaphore(%arg15 : memref<!tpu.dma_semaphore, #tpu.memory_space<semaphore_mem>>) src(%arg9 : memref<50x128xf32, #tpu.memory_space<vmem>>) dst(%dma_wait3A_187 : memref<10000x128xf32, #tpu.memory_space<vmem_shared>>)
      } else {
      }
      %add3A_135 = arith.constant 2 : i32
      %add3A_136 = arith.addi %add3A_113, %add3A_135 : i32
      %min3A_137 = arith.constant 199 : i32
      %min3A_138 = arith.minsi %add3A_136, %min3A_137 : i32
      %add3A_139 = arith.constant 2 : i32
      %add3A_140 = arith.addi %add3A_113, %add3A_139 : i32
      %lt3A_141 = arith.constant 200 : i32
      %lt3A_142 = arith.cmpi slt, %add3A_140, %lt3A_141 : i32
      %convert_element_type3A_143 = arith.extui %lt3A_142 : i1 to i32
      %cond3A_144 = arith.constant 0 : i32
      %cond3A_145 = arith.cmpi ne, %convert_element_type3A_143, %cond3A_144 : i32
      scf.if %cond3A_145 {
        %dma_start3A_182 = arith.constant 0 : i32
        %dma_start3A_183 = tpu.memref_slice %arg7[%min3A_138, %dma_start3A_182] : memref<200x50xi32, #tpu.memory_space<vmem>> -> memref<1x50xi32, #tpu.memory_space<vmem>>
        %dma_start3A_184 = tpu.memref_squeeze %dma_start3A_183 : memref<1x50xi32, #tpu.memory_space<vmem>> -> memref<50xi32, #tpu.memory_space<vmem>>
        %dma_start3A_185 = arith.constant 0 : i32
        %dma_start3A_186 = arith.constant 0 : i32
        %dma_start3A_187 = tpu.memref_slice %arg2[%dma_start3A_185, %dma_start3A_186] : memref<10000x128xf32, #tpu.memory_space<hbm>> -> memref<10000x128xf32, #tpu.memory_space<hbm>>
        tpu.enqueue_indirect_dma source(%dma_start3A_187 : memref<10000x128xf32, #tpu.memory_space<hbm>>) target(%arg9 : memref<50x128xf32, #tpu.memory_space<vmem>>) offsets(%dma_start3A_184 : memref<50xi32, #tpu.memory_space<vmem>>) semaphore(%arg14 : memref<!tpu.dma_semaphore, #tpu.memory_space<semaphore_mem>>)
      } else {
      }
      %mul3A_146 = arith.constant 4 : i32
      %mul3A_147 = arith.muli %mul3A_146, %scan3A_42 : i32
      %add3A_148 = arith.constant 3 : i32
      %add3A_149 = arith.addi %mul3A_147, %add3A_148 : i32
      %dma_wait3A_150 = arith.constant 0 : i32
      %dma_wait3A_151 = tpu.memref_slice %arg7[%add3A_149, %dma_wait3A_150] : memref<200x50xi32, #tpu.memory_space<vmem>> -> memref<1x50xi32, #tpu.memory_space<vmem>>
      %dma_wait3A_152 = tpu.memref_squeeze %dma_wait3A_151 : memref<1x50xi32, #tpu.memory_space<vmem>> -> memref<50xi32, #tpu.memory_space<vmem>>
      %dma_wait3A_153 = arith.constant 0 : i32
      %dma_wait3A_154 = arith.constant 0 : i32
      %dma_wait3A_155 = tpu.memref_slice %arg2[%dma_wait3A_153, %dma_wait3A_154] : memref<10000x128xf32, #tpu.memory_space<hbm>> -> memref<10000x128xf32, #tpu.memory_space<hbm>>
      tpu.wait_indirect_dma semaphore(%arg14 : memref<!tpu.dma_semaphore, #tpu.memory_space<semaphore_mem>>) src(%dma_wait3A_155 : memref<10000x128xf32, #tpu.memory_space<hbm>>) dst(%arg12 : memref<50x128xf32, #tpu.memory_space<vmem>>)
      %dma_start3A_156 = arith.constant 0 : i32
      %dma_start3A_157 = tpu.memref_slice %arg8[%add3A_149, %dma_start3A_156] : memref<200x50xi32, #tpu.memory_space<vmem>> -> memref<1x50xi32, #tpu.memory_space<vmem>>
      %dma_start3A_158 = tpu.memref_squeeze %dma_start3A_157 : memref<1x50xi32, #tpu.memory_space<vmem>> -> memref<50xi32, #tpu.memory_space<vmem>>
      %dma_start3A_159 = arith.constant 0 : i32
      %dma_start3A_160 = arith.constant 0 : i32
      %dma_start3A_161 = tpu.memref_slice %arg13[%dma_start3A_159, %dma_start3A_160] : memref<10000x128xf32, #tpu.memory_space<vmem_shared>> -> memref<10000x128xf32, #tpu.memory_space<vmem_shared>>
      tpu.enqueue_indirect_dma source(%arg12 : memref<50x128xf32, #tpu.memory_space<vmem>>) target(%dma_start3A_161 : memref<10000x128xf32, #tpu.memory_space<vmem_shared>>) offsets(%dma_start3A_158 : memref<50xi32, #tpu.memory_space<vmem>>) semaphore(%arg15 : memref<!tpu.dma_semaphore, #tpu.memory_space<semaphore_mem>>) {add = true}
      %sub3A_162 = arith.constant 2 : i32
      %sub3A_163 = arith.subi %add3A_149, %sub3A_162 : i32
      %max3A_164 = arith.constant 0 : i32
      %max3A_165 = arith.maxsi %sub3A_163, %max3A_164 : i32
      %ge3A_166 = arith.constant 2 : i32
      %ge3A_167 = arith.cmpi sge, %add3A_149, %ge3A_166 : i32
      %convert_element_type3A_168 = arith.extui %ge3A_167 : i1 to i32
      %cond3A_169 = arith.constant 0 : i32
      %cond3A_170 = arith.cmpi ne, %convert_element_type3A_168, %cond3A_169 : i32
      scf.if %cond3A_170 {
        %dma_wait3A_182 = arith.constant 0 : i32
        %dma_wait3A_183 = tpu.memref_slice %arg8[%max3A_165, %dma_wait3A_182] : memref<200x50xi32, #tpu.memory_space<vmem>> -> memref<1x50xi32, #tpu.memory_space<vmem>>
        %dma_wait3A_184 = tpu.memref_squeeze %dma_wait3A_183 : memref<1x50xi32, #tpu.memory_space<vmem>> -> memref<50xi32, #tpu.memory_space<vmem>>
        %dma_wait3A_185 = arith.constant 0 : i32
        %dma_wait3A_186 = arith.constant 0 : i32
        %dma_wait3A_187 = tpu.memref_slice %arg13[%dma_wait3A_185, %dma_wait3A_186] : memref<10000x128xf32, #tpu.memory_space<vmem_shared>> -> memref<10000x128xf32, #tpu.memory_space<vmem_shared>>
        tpu.wait_indirect_dma semaphore(%arg15 : memref<!tpu.dma_semaphore, #tpu.memory_space<semaphore_mem>>) src(%arg10 : memref<50x128xf32, #tpu.memory_space<vmem>>) dst(%dma_wait3A_187 : memref<10000x128xf32, #tpu.memory_space<vmem_shared>>)
      } else {
      }
      %add3A_171 = arith.constant 2 : i32
      %add3A_172 = arith.addi %add3A_149, %add3A_171 : i32
      %min3A_173 = arith.constant 199 : i32
      %min3A_174 = arith.minsi %add3A_172, %min3A_173 : i32
      %add3A_175 = arith.constant 2 : i32
      %add3A_176 = arith.addi %add3A_149, %add3A_175 : i32
      %lt3A_177 = arith.constant 200 : i32
      %lt3A_178 = arith.cmpi slt, %add3A_176, %lt3A_177 : i32
      %convert_element_type3A_179 = arith.extui %lt3A_178 : i1 to i32
      %cond3A_180 = arith.constant 0 : i32
      %cond3A_181 = arith.cmpi ne, %convert_element_type3A_179, %cond3A_180 : i32
      scf.if %cond3A_181 {
        %dma_start3A_182 = arith.constant 0 : i32
        %dma_start3A_183 = tpu.memref_slice %arg7[%min3A_174, %dma_start3A_182] : memref<200x50xi32, #tpu.memory_space<vmem>> -> memref<1x50xi32, #tpu.memory_space<vmem>>
        %dma_start3A_184 = tpu.memref_squeeze %dma_start3A_183 : memref<1x50xi32, #tpu.memory_space<vmem>> -> memref<50xi32, #tpu.memory_space<vmem>>
        %dma_start3A_185 = arith.constant 0 : i32
        %dma_start3A_186 = arith.constant 0 : i32
        %dma_start3A_187 = tpu.memref_slice %arg2[%dma_start3A_185, %dma_start3A_186] : memref<10000x128xf32, #tpu.memory_space<hbm>> -> memref<10000x128xf32, #tpu.memory_space<hbm>>
        tpu.enqueue_indirect_dma source(%dma_start3A_187 : memref<10000x128xf32, #tpu.memory_space<hbm>>) target(%arg10 : memref<50x128xf32, #tpu.memory_space<vmem>>) offsets(%dma_start3A_184 : memref<50xi32, #tpu.memory_space<vmem>>) semaphore(%arg14 : memref<!tpu.dma_semaphore, #tpu.memory_space<semaphore_mem>>)
      } else {
      }
    }
    %scan3A_22 = arith.constant 50 : i32
    %dma_wait3A = arith.constant 198 : i32
    %dma_wait3A_23 = arith.constant 0 : i32
    %dma_wait3A_24 = tpu.memref_slice %arg8[%dma_wait3A, %dma_wait3A_23] : memref<200x50xi32, #tpu.memory_space<vmem>> -> memref<1x50xi32, #tpu.memory_space<vmem>>
    %dma_wait3A_25 = tpu.memref_squeeze %dma_wait3A_24 : memref<1x50xi32, #tpu.memory_space<vmem>> -> memref<50xi32, #tpu.memory_space<vmem>>
    %dma_wait3A_26 = arith.constant 0 : i32
    %dma_wait3A_27 = arith.constant 0 : i32
    %dma_wait3A_28 = tpu.memref_slice %arg13[%dma_wait3A_26, %dma_wait3A_27] : memref<10000x128xf32, #tpu.memory_space<vmem_shared>> -> memref<10000x128xf32, #tpu.memory_space<vmem_shared>>
    tpu.wait_indirect_dma semaphore(%arg15 : memref<!tpu.dma_semaphore, #tpu.memory_space<semaphore_mem>>) src(%arg11 : memref<50x128xf32, #tpu.memory_space<vmem>>) dst(%dma_wait3A_28 : memref<10000x128xf32, #tpu.memory_space<vmem_shared>>)
    %dma_wait3A_29 = arith.constant 199 : i32
    %dma_wait3A_30 = arith.constant 0 : i32
    %dma_wait3A_31 = tpu.memref_slice %arg8[%dma_wait3A_29, %dma_wait3A_30] : memref<200x50xi32, #tpu.memory_space<vmem>> -> memref<1x50xi32, #tpu.memory_space<vmem>>
    %dma_wait3A_32 = tpu.memref_squeeze %dma_wait3A_31 : memref<1x50xi32, #tpu.memory_space<vmem>> -> memref<50xi32, #tpu.memory_space<vmem>>
    %dma_wait3A_33 = arith.constant 0 : i32
    %dma_wait3A_34 = arith.constant 0 : i32
    %dma_wait3A_35 = tpu.memref_slice %arg13[%dma_wait3A_33, %dma_wait3A_34] : memref<10000x128xf32, #tpu.memory_space<vmem_shared>> -> memref<10000x128xf32, #tpu.memory_space<vmem_shared>>
    tpu.wait_indirect_dma semaphore(%arg15 : memref<!tpu.dma_semaphore, #tpu.memory_space<semaphore_mem>>) src(%arg12 : memref<50x128xf32, #tpu.memory_space<vmem>>) dst(%dma_wait3A_35 : memref<10000x128xf32, #tpu.memory_space<vmem_shared>>)
    %barrier3A_36 = arith.constant 0 : index
    tpu.barrier barrier_id(%barrier3A_36)
    "tpu.region"() ({
      %run_scoped3A = tpu.sem_alloc : memref<!tpu.dma_semaphore, #tpu.memory_space<semaphore_mem>>
      %dma_start3A_42 = arith.constant 0 : i32
      %dma_start3A_43 = tpu.memref_slice %arg6[%arg0, %mul3A_2, %dma_start3A_42] : memref<2x10000x128xf32, #tpu.memory_space<hbm>> -> memref<1x624x128xf32, #tpu.memory_space<hbm>>
      %dma_start3A_44 = tpu.memref_squeeze %dma_start3A_43 : memref<1x624x128xf32, #tpu.memory_space<hbm>> -> memref<624x128xf32, #tpu.memory_space<hbm>>
      %dma_start3A_45 = arith.constant 0 : i32
      %dma_start3A_46 = tpu.memref_slice %arg13[%mul3A_2, %dma_start3A_45] : memref<10000x128xf32, #tpu.memory_space<vmem_shared>> -> memref<624x128xf32, #tpu.memory_space<vmem_shared>>
      tpu.enqueue_dma source(%dma_start3A_46 : memref<624x128xf32, #tpu.memory_space<vmem_shared>>) target(%dma_start3A_44 : memref<624x128xf32, #tpu.memory_space<hbm>>) target_semaphore(%run_scoped3A : memref<!tpu.dma_semaphore, #tpu.memory_space<semaphore_mem>>)
      %dma_wait3A_47 = arith.constant 0 : i32
      %dma_wait3A_48 = tpu.memref_slice %arg6[%arg0, %mul3A_2, %dma_wait3A_47] : memref<2x10000x128xf32, #tpu.memory_space<hbm>> -> memref<1x624x128xf32, #tpu.memory_space<hbm>>
      %dma_wait3A_49 = tpu.memref_squeeze %dma_wait3A_48 : memref<1x624x128xf32, #tpu.memory_space<hbm>> -> memref<624x128xf32, #tpu.memory_space<hbm>>
      %dma_wait3A_50 = arith.constant 0 : i32
      %dma_wait3A_51 = tpu.memref_slice %arg13[%mul3A_2, %dma_wait3A_50] : memref<10000x128xf32, #tpu.memory_space<vmem_shared>> -> memref<624x128xf32, #tpu.memory_space<vmem_shared>>
      tpu.wait_dma2 semaphore(%run_scoped3A : memref<!tpu.dma_semaphore, #tpu.memory_space<semaphore_mem>>) src(%dma_wait3A_51 : memref<624x128xf32, #tpu.memory_space<vmem_shared>>) dst(%dma_wait3A_49 : memref<624x128xf32, #tpu.memory_space<hbm>>)
      tpu.yield
    }) : () -> ()
    %eq3A_37 = arith.constant 15 : i32
    %eq3A_38 = arith.cmpi eq, %arg1, %eq3A_37 : i32
    %convert_element_type3A_39 = arith.extui %eq3A_38 : i1 to i32
    %cond3A_40 = arith.constant 0 : i32
    %cond3A_41 = arith.cmpi ne, %convert_element_type3A_39, %cond3A_40 : i32
    scf.if %cond3A_41 {
      "tpu.region"() ({
        %run_scoped3A = tpu.sem_alloc : memref<!tpu.dma_semaphore, #tpu.memory_space<semaphore_mem>>
        %dma_start3A_42 = arith.constant 9984 : i32
        %dma_start3A_43 = arith.constant 0 : i32
        %dma_start3A_44 = tpu.memref_slice %arg6[%arg0, %dma_start3A_42, %dma_start3A_43] : memref<2x10000x128xf32, #tpu.memory_space<hbm>> -> memref<1x16x128xf32, #tpu.memory_space<hbm>>
        %dma_start3A_45 = tpu.memref_squeeze %dma_start3A_44 : memref<1x16x128xf32, #tpu.memory_space<hbm>> -> memref<16x128xf32, #tpu.memory_space<hbm>>
        %dma_start3A_46 = arith.constant 9984 : i32
        %dma_start3A_47 = arith.constant 0 : i32
        %dma_start3A_48 = tpu.memref_slice %arg13[%dma_start3A_46, %dma_start3A_47] : memref<10000x128xf32, #tpu.memory_space<vmem_shared>> -> memref<16x128xf32, #tpu.memory_space<vmem_shared>>
        tpu.enqueue_dma source(%dma_start3A_48 : memref<16x128xf32, #tpu.memory_space<vmem_shared>>) target(%dma_start3A_45 : memref<16x128xf32, #tpu.memory_space<hbm>>) target_semaphore(%run_scoped3A : memref<!tpu.dma_semaphore, #tpu.memory_space<semaphore_mem>>)
        %dma_wait3A_49 = arith.constant 9984 : i32
        %dma_wait3A_50 = arith.constant 0 : i32
        %dma_wait3A_51 = tpu.memref_slice %arg6[%arg0, %dma_wait3A_49, %dma_wait3A_50] : memref<2x10000x128xf32, #tpu.memory_space<hbm>> -> memref<1x16x128xf32, #tpu.memory_space<hbm>>
        %dma_wait3A_52 = tpu.memref_squeeze %dma_wait3A_51 : memref<1x16x128xf32, #tpu.memory_space<hbm>> -> memref<16x128xf32, #tpu.memory_space<hbm>>
        %dma_wait3A_53 = arith.constant 9984 : i32
        %dma_wait3A_54 = arith.constant 0 : i32
        %dma_wait3A_55 = tpu.memref_slice %arg13[%dma_wait3A_53, %dma_wait3A_54] : memref<10000x128xf32, #tpu.memory_space<vmem_shared>> -> memref<16x128xf32, #tpu.memory_space<vmem_shared>>
        tpu.wait_dma2 semaphore(%run_scoped3A : memref<!tpu.dma_semaphore, #tpu.memory_space<semaphore_mem>>) src(%dma_wait3A_55 : memref<16x128xf32, #tpu.memory_space<vmem_shared>>) dst(%dma_wait3A_52 : memref<16x128xf32, #tpu.memory_space<hbm>>)
        tpu.yield
      }) : () -> ()
    } else {
    }
    return
  }
}

#map = affine_map<(d0, d1) -> (0, 0)>
#map1 = affine_map<(d0, d1) -> (0, 0, 0)>
module attributes {stable_mosaic.version = 14 : i64} {
  func.func @seg_kernel(%arg0: i32, %arg1: i32, %arg2: memref<10000x64xf32, #tpu.memory_space<hbm>>, %arg3: memref<32x200x50xi32, #tpu.memory_space<hbm>>, %arg4: memref<32x200x50xi32, #tpu.memory_space<hbm>>, %arg5: memref<10000x64xf32, #tpu.memory_space<hbm>>, %arg6: memref<2x10000x64xf32, #tpu.memory_space<hbm>>, %arg7: memref<200x50xi32, #tpu.memory_space<vmem>>, %arg8: memref<200x50xi32, #tpu.memory_space<vmem>>, %arg9: memref<50x64xf32, #tpu.memory_space<vmem>>, %arg10: memref<50x64xf32, #tpu.memory_space<vmem>>, %arg11: memref<50x64xf32, #tpu.memory_space<vmem>>, %arg12: memref<50x64xf32, #tpu.memory_space<vmem>>, %arg13: memref<10000x64xf32, #tpu.memory_space<vmem_shared>>, %arg14: memref<!tpu.dma_semaphore, #tpu.memory_space<semaphore_mem>>, %arg15: memref<!tpu.dma_semaphore, #tpu.memory_space<semaphore_mem>>) attributes {dimension_semantics = [#tpu.dimension_semantics<core_parallel>, #tpu.dimension_semantics<subcore_parallel>], iteration_bounds = array<i64: 2, 16>, scalar_prefetch = 0 : i64, scratch_operands = 9 : i64, tpu.core_type = #tpu.core_type<sc_vector_subcore>, window_params = [{transform_indices = #map}, {transform_indices = #map1}, {transform_indices = #map1}, {transform_indices = #map}, {transform_indices = #map1}]} {
    %mul3A = arith.constant 16 : i32
    %mul3A_0 = arith.muli %arg0, %mul3A : i32
    %add3A = arith.addi %mul3A_0, %arg1 : i32
    %mul3A_1 = arith.constant 624 : i32
    %mul3A_2 = arith.muli %arg1, %mul3A_1 : i32
    "tpu.region"() ({
      %run_scoped3A = tpu.sem_alloc : memref<!tpu.dma_semaphore, #tpu.memory_space<semaphore_mem>>
      %dma_start3A_42 = arith.constant 0 : i32
      %dma_start3A_43 = arith.constant 0 : i32
      %dma_start3A_44 = tpu.memref_slice %arg3[%add3A, %dma_start3A_42, %dma_start3A_43] : memref<32x200x50xi32, #tpu.memory_space<hbm>> -> memref<1x200x50xi32, #tpu.memory_space<hbm>>
      %dma_start3A_45 = tpu.memref_squeeze %dma_start3A_44 : memref<1x200x50xi32, #tpu.memory_space<hbm>> -> memref<200x50xi32, #tpu.memory_space<hbm>>
      %dma_start3A_46 = arith.constant 0 : i32
      %dma_start3A_47 = arith.constant 0 : i32
      %dma_start3A_48 = tpu.memref_slice %arg3[%add3A, %dma_start3A_46, %dma_start3A_47] : memref<32x200x50xi32, #tpu.memory_space<hbm>> -> memref<1x200x50xi32, #tpu.memory_space<hbm>>
      %dma_start3A_49 = tpu.memref_squeeze %dma_start3A_48 : memref<1x200x50xi32, #tpu.memory_space<hbm>> -> memref<200x50xi32, #tpu.memory_space<hbm>>
      tpu.enqueue_dma source(%dma_start3A_49 : memref<200x50xi32, #tpu.memory_space<hbm>>) target(%arg7 : memref<200x50xi32, #tpu.memory_space<vmem>>) target_semaphore(%run_scoped3A : memref<!tpu.dma_semaphore, #tpu.memory_space<semaphore_mem>>)
      %dma_wait3A_50 = arith.constant 0 : i32
      %dma_wait3A_51 = arith.constant 0 : i32
      %dma_wait3A_52 = tpu.memref_slice %arg3[%add3A, %dma_wait3A_50, %dma_wait3A_51] : memref<32x200x50xi32, #tpu.memory_space<hbm>> -> memref<1x200x50xi32, #tpu.memory_space<hbm>>
      %dma_wait3A_53 = tpu.memref_squeeze %dma_wait3A_52 : memref<1x200x50xi32, #tpu.memory_space<hbm>> -> memref<200x50xi32, #tpu.memory_space<hbm>>
      %dma_wait3A_54 = arith.constant 0 : i32
      %dma_wait3A_55 = arith.constant 0 : i32
      %dma_wait3A_56 = tpu.memref_slice %arg3[%add3A, %dma_wait3A_54, %dma_wait3A_55] : memref<32x200x50xi32, #tpu.memory_space<hbm>> -> memref<1x200x50xi32, #tpu.memory_space<hbm>>
      %dma_wait3A_57 = tpu.memref_squeeze %dma_wait3A_56 : memref<1x200x50xi32, #tpu.memory_space<hbm>> -> memref<200x50xi32, #tpu.memory_space<hbm>>
      tpu.wait_dma2 semaphore(%run_scoped3A : memref<!tpu.dma_semaphore, #tpu.memory_space<semaphore_mem>>) src(%dma_wait3A_57 : memref<200x50xi32, #tpu.memory_space<hbm>>) dst(%arg7 : memref<200x50xi32, #tpu.memory_space<vmem>>)
      tpu.yield
    }) : () -> ()
    "tpu.region"() ({
      %run_scoped3A = tpu.sem_alloc : memref<!tpu.dma_semaphore, #tpu.memory_space<semaphore_mem>>
      %dma_start3A_42 = arith.constant 0 : i32
      %dma_start3A_43 = arith.constant 0 : i32
      %dma_start3A_44 = tpu.memref_slice %arg4[%add3A, %dma_start3A_42, %dma_start3A_43] : memref<32x200x50xi32, #tpu.memory_space<hbm>> -> memref<1x200x50xi32, #tpu.memory_space<hbm>>
      %dma_start3A_45 = tpu.memref_squeeze %dma_start3A_44 : memref<1x200x50xi32, #tpu.memory_space<hbm>> -> memref<200x50xi32, #tpu.memory_space<hbm>>
      %dma_start3A_46 = arith.constant 0 : i32
      %dma_start3A_47 = arith.constant 0 : i32
      %dma_start3A_48 = tpu.memref_slice %arg4[%add3A, %dma_start3A_46, %dma_start3A_47] : memref<32x200x50xi32, #tpu.memory_space<hbm>> -> memref<1x200x50xi32, #tpu.memory_space<hbm>>
      %dma_start3A_49 = tpu.memref_squeeze %dma_start3A_48 : memref<1x200x50xi32, #tpu.memory_space<hbm>> -> memref<200x50xi32, #tpu.memory_space<hbm>>
      tpu.enqueue_dma source(%dma_start3A_49 : memref<200x50xi32, #tpu.memory_space<hbm>>) target(%arg8 : memref<200x50xi32, #tpu.memory_space<vmem>>) target_semaphore(%run_scoped3A : memref<!tpu.dma_semaphore, #tpu.memory_space<semaphore_mem>>)
      %dma_wait3A_50 = arith.constant 0 : i32
      %dma_wait3A_51 = arith.constant 0 : i32
      %dma_wait3A_52 = tpu.memref_slice %arg4[%add3A, %dma_wait3A_50, %dma_wait3A_51] : memref<32x200x50xi32, #tpu.memory_space<hbm>> -> memref<1x200x50xi32, #tpu.memory_space<hbm>>
      %dma_wait3A_53 = tpu.memref_squeeze %dma_wait3A_52 : memref<1x200x50xi32, #tpu.memory_space<hbm>> -> memref<200x50xi32, #tpu.memory_space<hbm>>
      %dma_wait3A_54 = arith.constant 0 : i32
      %dma_wait3A_55 = arith.constant 0 : i32
      %dma_wait3A_56 = tpu.memref_slice %arg4[%add3A, %dma_wait3A_54, %dma_wait3A_55] : memref<32x200x50xi32, #tpu.memory_space<hbm>> -> memref<1x200x50xi32, #tpu.memory_space<hbm>>
      %dma_wait3A_57 = tpu.memref_squeeze %dma_wait3A_56 : memref<1x200x50xi32, #tpu.memory_space<hbm>> -> memref<200x50xi32, #tpu.memory_space<hbm>>
      tpu.wait_dma2 semaphore(%run_scoped3A : memref<!tpu.dma_semaphore, #tpu.memory_space<semaphore_mem>>) src(%dma_wait3A_57 : memref<200x50xi32, #tpu.memory_space<hbm>>) dst(%arg8 : memref<200x50xi32, #tpu.memory_space<vmem>>)
      tpu.yield
    }) : () -> ()
    "tpu.region"() ({
      %run_scoped3A = tpu.sem_alloc : memref<!tpu.dma_semaphore, #tpu.memory_space<semaphore_mem>>
      %dma_start3A_42 = arith.constant 0 : i32
      %dma_start3A_43 = tpu.memref_slice %arg13[%mul3A_2, %dma_start3A_42] : memref<10000x64xf32, #tpu.memory_space<vmem_shared>> -> memref<624x64xf32, #tpu.memory_space<vmem_shared>>
      %dma_start3A_44 = arith.constant 0 : i32
      %dma_start3A_45 = tpu.memref_slice %arg5[%mul3A_2, %dma_start3A_44] : memref<10000x64xf32, #tpu.memory_space<hbm>> -> memref<624x64xf32, #tpu.memory_space<hbm>>
      tpu.enqueue_dma source(%dma_start3A_45 : memref<624x64xf32, #tpu.memory_space<hbm>>) target(%dma_start3A_43 : memref<624x64xf32, #tpu.memory_space<vmem_shared>>) target_semaphore(%run_scoped3A : memref<!tpu.dma_semaphore, #tpu.memory_space<semaphore_mem>>)
      %dma_wait3A_46 = arith.constant 0 : i32
      %dma_wait3A_47 = tpu.memref_slice %arg13[%mul3A_2, %dma_wait3A_46] : memref<10000x64xf32, #tpu.memory_space<vmem_shared>> -> memref<624x64xf32, #tpu.memory_space<vmem_shared>>
      %dma_wait3A_48 = arith.constant 0 : i32
      %dma_wait3A_49 = tpu.memref_slice %arg5[%mul3A_2, %dma_wait3A_48] : memref<10000x64xf32, #tpu.memory_space<hbm>> -> memref<624x64xf32, #tpu.memory_space<hbm>>
      tpu.wait_dma2 semaphore(%run_scoped3A : memref<!tpu.dma_semaphore, #tpu.memory_space<semaphore_mem>>) src(%dma_wait3A_49 : memref<624x64xf32, #tpu.memory_space<hbm>>) dst(%dma_wait3A_47 : memref<624x64xf32, #tpu.memory_space<vmem_shared>>)
      tpu.yield
    }) : () -> ()
    %eq3A = arith.constant 15 : i32
    %eq3A_3 = arith.cmpi eq, %arg1, %eq3A : i32
    %convert_element_type3A = arith.extui %eq3A_3 : i1 to i32
    %cond3A = arith.constant 0 : i32
    %cond3A_4 = arith.cmpi ne, %convert_element_type3A, %cond3A : i32
    scf.if %cond3A_4 {
      "tpu.region"() ({
        %run_scoped3A = tpu.sem_alloc : memref<!tpu.dma_semaphore, #tpu.memory_space<semaphore_mem>>
        %dma_start3A_42 = arith.constant 9984 : i32
        %dma_start3A_43 = arith.constant 0 : i32
        %dma_start3A_44 = tpu.memref_slice %arg13[%dma_start3A_42, %dma_start3A_43] : memref<10000x64xf32, #tpu.memory_space<vmem_shared>> -> memref<16x64xf32, #tpu.memory_space<vmem_shared>>
        %dma_start3A_45 = arith.constant 9984 : i32
        %dma_start3A_46 = arith.constant 0 : i32
        %dma_start3A_47 = tpu.memref_slice %arg5[%dma_start3A_45, %dma_start3A_46] : memref<10000x64xf32, #tpu.memory_space<hbm>> -> memref<16x64xf32, #tpu.memory_space<hbm>>
        tpu.enqueue_dma source(%dma_start3A_47 : memref<16x64xf32, #tpu.memory_space<hbm>>) target(%dma_start3A_44 : memref<16x64xf32, #tpu.memory_space<vmem_shared>>) target_semaphore(%run_scoped3A : memref<!tpu.dma_semaphore, #tpu.memory_space<semaphore_mem>>)
        %dma_wait3A_48 = arith.constant 9984 : i32
        %dma_wait3A_49 = arith.constant 0 : i32
        %dma_wait3A_50 = tpu.memref_slice %arg13[%dma_wait3A_48, %dma_wait3A_49] : memref<10000x64xf32, #tpu.memory_space<vmem_shared>> -> memref<16x64xf32, #tpu.memory_space<vmem_shared>>
        %dma_wait3A_51 = arith.constant 9984 : i32
        %dma_wait3A_52 = arith.constant 0 : i32
        %dma_wait3A_53 = tpu.memref_slice %arg5[%dma_wait3A_51, %dma_wait3A_52] : memref<10000x64xf32, #tpu.memory_space<hbm>> -> memref<16x64xf32, #tpu.memory_space<hbm>>
        tpu.wait_dma2 semaphore(%run_scoped3A : memref<!tpu.dma_semaphore, #tpu.memory_space<semaphore_mem>>) src(%dma_wait3A_53 : memref<16x64xf32, #tpu.memory_space<hbm>>) dst(%dma_wait3A_50 : memref<16x64xf32, #tpu.memory_space<vmem_shared>>)
        tpu.yield
      }) : () -> ()
    } else {
    }
    %barrier3A = arith.constant 0 : index
    tpu.barrier barrier_id(%barrier3A)
    %dma_start3A = arith.constant 0 : i32
    %dma_start3A_5 = arith.constant 0 : i32
    %dma_start3A_6 = tpu.memref_slice %arg7[%dma_start3A, %dma_start3A_5] : memref<200x50xi32, #tpu.memory_space<vmem>> -> memref<1x50xi32, #tpu.memory_space<vmem>>
    %dma_start3A_7 = tpu.memref_squeeze %dma_start3A_6 : memref<1x50xi32, #tpu.memory_space<vmem>> -> memref<50xi32, #tpu.memory_space<vmem>>
    %dma_start3A_8 = arith.constant 0 : i32
    %dma_start3A_9 = arith.constant 0 : i32
    %dma_start3A_10 = tpu.memref_slice %arg2[%dma_start3A_8, %dma_start3A_9] : memref<10000x64xf32, #tpu.memory_space<hbm>> -> memref<10000x64xf32, #tpu.memory_space<hbm>>
    tpu.enqueue_indirect_dma source(%dma_start3A_10 : memref<10000x64xf32, #tpu.memory_space<hbm>>) target(%arg9 : memref<50x64xf32, #tpu.memory_space<vmem>>) offsets(%dma_start3A_7 : memref<50xi32, #tpu.memory_space<vmem>>) semaphore(%arg14 : memref<!tpu.dma_semaphore, #tpu.memory_space<semaphore_mem>>)
    %dma_start3A_11 = arith.constant 1 : i32
    %dma_start3A_12 = arith.constant 0 : i32
    %dma_start3A_13 = tpu.memref_slice %arg7[%dma_start3A_11, %dma_start3A_12] : memref<200x50xi32, #tpu.memory_space<vmem>> -> memref<1x50xi32, #tpu.memory_space<vmem>>
    %dma_start3A_14 = tpu.memref_squeeze %dma_start3A_13 : memref<1x50xi32, #tpu.memory_space<vmem>> -> memref<50xi32, #tpu.memory_space<vmem>>
    %dma_start3A_15 = arith.constant 0 : i32
    %dma_start3A_16 = arith.constant 0 : i32
    %dma_start3A_17 = tpu.memref_slice %arg2[%dma_start3A_15, %dma_start3A_16] : memref<10000x64xf32, #tpu.memory_space<hbm>> -> memref<10000x64xf32, #tpu.memory_space<hbm>>
    tpu.enqueue_indirect_dma source(%dma_start3A_17 : memref<10000x64xf32, #tpu.memory_space<hbm>>) target(%arg10 : memref<50x64xf32, #tpu.memory_space<vmem>>) offsets(%dma_start3A_14 : memref<50xi32, #tpu.memory_space<vmem>>) semaphore(%arg14 : memref<!tpu.dma_semaphore, #tpu.memory_space<semaphore_mem>>)
    %scan3A = arith.constant 0 : i32
    %scan3A_18 = arith.constant 0 : i32
    %scan3A_19 = arith.constant 50 : i32
    %scan3A_20 = arith.addi %scan3A_18, %scan3A_19 : i32
    %scan3A_21 = arith.constant 1 : i32
    scf.for %scan3A_42 = %scan3A_18 to %scan3A_20 step %scan3A_21  : i32 {
      %mul3A_43 = arith.constant 4 : i32
      %mul3A_44 = arith.muli %mul3A_43, %scan3A_42 : i32
      %add3A_45 = arith.constant 0 : i32
      %add3A_46 = arith.addi %mul3A_44, %add3A_45 : i32
      %dma_wait3A_47 = arith.constant 0 : i32
      %dma_wait3A_48 = tpu.memref_slice %arg7[%add3A_46, %dma_wait3A_47] : memref<200x50xi32, #tpu.memory_space<vmem>> -> memref<1x50xi32, #tpu.memory_space<vmem>>
      %dma_wait3A_49 = tpu.memref_squeeze %dma_wait3A_48 : memref<1x50xi32, #tpu.memory_space<vmem>> -> memref<50xi32, #tpu.memory_space<vmem>>
      %dma_wait3A_50 = arith.constant 0 : i32
      %dma_wait3A_51 = arith.constant 0 : i32
      %dma_wait3A_52 = tpu.memref_slice %arg2[%dma_wait3A_50, %dma_wait3A_51] : memref<10000x64xf32, #tpu.memory_space<hbm>> -> memref<10000x64xf32, #tpu.memory_space<hbm>>
      tpu.wait_indirect_dma semaphore(%arg14 : memref<!tpu.dma_semaphore, #tpu.memory_space<semaphore_mem>>) src(%dma_wait3A_52 : memref<10000x64xf32, #tpu.memory_space<hbm>>) dst(%arg9 : memref<50x64xf32, #tpu.memory_space<vmem>>)
      %dma_start3A_53 = arith.constant 0 : i32
      %dma_start3A_54 = tpu.memref_slice %arg8[%add3A_46, %dma_start3A_53] : memref<200x50xi32, #tpu.memory_space<vmem>> -> memref<1x50xi32, #tpu.memory_space<vmem>>
      %dma_start3A_55 = tpu.memref_squeeze %dma_start3A_54 : memref<1x50xi32, #tpu.memory_space<vmem>> -> memref<50xi32, #tpu.memory_space<vmem>>
      %dma_start3A_56 = arith.constant 0 : i32
      %dma_start3A_57 = arith.constant 0 : i32
      %dma_start3A_58 = tpu.memref_slice %arg13[%dma_start3A_56, %dma_start3A_57] : memref<10000x64xf32, #tpu.memory_space<vmem_shared>> -> memref<10000x64xf32, #tpu.memory_space<vmem_shared>>
      tpu.enqueue_indirect_dma source(%arg9 : memref<50x64xf32, #tpu.memory_space<vmem>>) target(%dma_start3A_58 : memref<10000x64xf32, #tpu.memory_space<vmem_shared>>) offsets(%dma_start3A_55 : memref<50xi32, #tpu.memory_space<vmem>>) semaphore(%arg15 : memref<!tpu.dma_semaphore, #tpu.memory_space<semaphore_mem>>) {add = true}
      %sub3A = arith.constant 2 : i32
      %sub3A_59 = arith.subi %add3A_46, %sub3A : i32
      %max3A = arith.constant 0 : i32
      %max3A_60 = arith.maxsi %sub3A_59, %max3A : i32
      %ge3A = arith.constant 2 : i32
      %ge3A_61 = arith.cmpi sge, %add3A_46, %ge3A : i32
      %convert_element_type3A_62 = arith.extui %ge3A_61 : i1 to i32
      %cond3A_63 = arith.constant 0 : i32
      %cond3A_64 = arith.cmpi ne, %convert_element_type3A_62, %cond3A_63 : i32
      scf.if %cond3A_64 {
        %dma_wait3A_182 = arith.constant 0 : i32
        %dma_wait3A_183 = tpu.memref_slice %arg8[%max3A_60, %dma_wait3A_182] : memref<200x50xi32, #tpu.memory_space<vmem>> -> memref<1x50xi32, #tpu.memory_space<vmem>>
        %dma_wait3A_184 = tpu.memref_squeeze %dma_wait3A_183 : memref<1x50xi32, #tpu.memory_space<vmem>> -> memref<50xi32, #tpu.memory_space<vmem>>
        %dma_wait3A_185 = arith.constant 0 : i32
        %dma_wait3A_186 = arith.constant 0 : i32
        %dma_wait3A_187 = tpu.memref_slice %arg13[%dma_wait3A_185, %dma_wait3A_186] : memref<10000x64xf32, #tpu.memory_space<vmem_shared>> -> memref<10000x64xf32, #tpu.memory_space<vmem_shared>>
        tpu.wait_indirect_dma semaphore(%arg15 : memref<!tpu.dma_semaphore, #tpu.memory_space<semaphore_mem>>) src(%arg11 : memref<50x64xf32, #tpu.memory_space<vmem>>) dst(%dma_wait3A_187 : memref<10000x64xf32, #tpu.memory_space<vmem_shared>>)
      } else {
      }
      %add3A_65 = arith.constant 2 : i32
      %add3A_66 = arith.addi %add3A_46, %add3A_65 : i32
      %min3A = arith.constant 199 : i32
      %min3A_67 = arith.minsi %add3A_66, %min3A : i32
      %add3A_68 = arith.constant 2 : i32
      %add3A_69 = arith.addi %add3A_46, %add3A_68 : i32
      %lt3A = arith.constant 200 : i32
      %lt3A_70 = arith.cmpi slt, %add3A_69, %lt3A : i32
      %convert_element_type3A_71 = arith.extui %lt3A_70 : i1 to i32
      %cond3A_72 = arith.constant 0 : i32
      %cond3A_73 = arith.cmpi ne, %convert_element_type3A_71, %cond3A_72 : i32
      scf.if %cond3A_73 {
        %dma_start3A_182 = arith.constant 0 : i32
        %dma_start3A_183 = tpu.memref_slice %arg7[%min3A_67, %dma_start3A_182] : memref<200x50xi32, #tpu.memory_space<vmem>> -> memref<1x50xi32, #tpu.memory_space<vmem>>
        %dma_start3A_184 = tpu.memref_squeeze %dma_start3A_183 : memref<1x50xi32, #tpu.memory_space<vmem>> -> memref<50xi32, #tpu.memory_space<vmem>>
        %dma_start3A_185 = arith.constant 0 : i32
        %dma_start3A_186 = arith.constant 0 : i32
        %dma_start3A_187 = tpu.memref_slice %arg2[%dma_start3A_185, %dma_start3A_186] : memref<10000x64xf32, #tpu.memory_space<hbm>> -> memref<10000x64xf32, #tpu.memory_space<hbm>>
        tpu.enqueue_indirect_dma source(%dma_start3A_187 : memref<10000x64xf32, #tpu.memory_space<hbm>>) target(%arg11 : memref<50x64xf32, #tpu.memory_space<vmem>>) offsets(%dma_start3A_184 : memref<50xi32, #tpu.memory_space<vmem>>) semaphore(%arg14 : memref<!tpu.dma_semaphore, #tpu.memory_space<semaphore_mem>>)
      } else {
      }
      %mul3A_74 = arith.constant 4 : i32
      %mul3A_75 = arith.muli %mul3A_74, %scan3A_42 : i32
      %add3A_76 = arith.constant 1 : i32
      %add3A_77 = arith.addi %mul3A_75, %add3A_76 : i32
      %dma_wait3A_78 = arith.constant 0 : i32
      %dma_wait3A_79 = tpu.memref_slice %arg7[%add3A_77, %dma_wait3A_78] : memref<200x50xi32, #tpu.memory_space<vmem>> -> memref<1x50xi32, #tpu.memory_space<vmem>>
      %dma_wait3A_80 = tpu.memref_squeeze %dma_wait3A_79 : memref<1x50xi32, #tpu.memory_space<vmem>> -> memref<50xi32, #tpu.memory_space<vmem>>
      %dma_wait3A_81 = arith.constant 0 : i32
      %dma_wait3A_82 = arith.constant 0 : i32
      %dma_wait3A_83 = tpu.memref_slice %arg2[%dma_wait3A_81, %dma_wait3A_82] : memref<10000x64xf32, #tpu.memory_space<hbm>> -> memref<10000x64xf32, #tpu.memory_space<hbm>>
      tpu.wait_indirect_dma semaphore(%arg14 : memref<!tpu.dma_semaphore, #tpu.memory_space<semaphore_mem>>) src(%dma_wait3A_83 : memref<10000x64xf32, #tpu.memory_space<hbm>>) dst(%arg10 : memref<50x64xf32, #tpu.memory_space<vmem>>)
      %dma_start3A_84 = arith.constant 0 : i32
      %dma_start3A_85 = tpu.memref_slice %arg8[%add3A_77, %dma_start3A_84] : memref<200x50xi32, #tpu.memory_space<vmem>> -> memref<1x50xi32, #tpu.memory_space<vmem>>
      %dma_start3A_86 = tpu.memref_squeeze %dma_start3A_85 : memref<1x50xi32, #tpu.memory_space<vmem>> -> memref<50xi32, #tpu.memory_space<vmem>>
      %dma_start3A_87 = arith.constant 0 : i32
      %dma_start3A_88 = arith.constant 0 : i32
      %dma_start3A_89 = tpu.memref_slice %arg13[%dma_start3A_87, %dma_start3A_88] : memref<10000x64xf32, #tpu.memory_space<vmem_shared>> -> memref<10000x64xf32, #tpu.memory_space<vmem_shared>>
      tpu.enqueue_indirect_dma source(%arg10 : memref<50x64xf32, #tpu.memory_space<vmem>>) target(%dma_start3A_89 : memref<10000x64xf32, #tpu.memory_space<vmem_shared>>) offsets(%dma_start3A_86 : memref<50xi32, #tpu.memory_space<vmem>>) semaphore(%arg15 : memref<!tpu.dma_semaphore, #tpu.memory_space<semaphore_mem>>) {add = true}
      %sub3A_90 = arith.constant 2 : i32
      %sub3A_91 = arith.subi %add3A_77, %sub3A_90 : i32
      %max3A_92 = arith.constant 0 : i32
      %max3A_93 = arith.maxsi %sub3A_91, %max3A_92 : i32
      %ge3A_94 = arith.constant 2 : i32
      %ge3A_95 = arith.cmpi sge, %add3A_77, %ge3A_94 : i32
      %convert_element_type3A_96 = arith.extui %ge3A_95 : i1 to i32
      %cond3A_97 = arith.constant 0 : i32
      %cond3A_98 = arith.cmpi ne, %convert_element_type3A_96, %cond3A_97 : i32
      scf.if %cond3A_98 {
        %dma_wait3A_182 = arith.constant 0 : i32
        %dma_wait3A_183 = tpu.memref_slice %arg8[%max3A_93, %dma_wait3A_182] : memref<200x50xi32, #tpu.memory_space<vmem>> -> memref<1x50xi32, #tpu.memory_space<vmem>>
        %dma_wait3A_184 = tpu.memref_squeeze %dma_wait3A_183 : memref<1x50xi32, #tpu.memory_space<vmem>> -> memref<50xi32, #tpu.memory_space<vmem>>
        %dma_wait3A_185 = arith.constant 0 : i32
        %dma_wait3A_186 = arith.constant 0 : i32
        %dma_wait3A_187 = tpu.memref_slice %arg13[%dma_wait3A_185, %dma_wait3A_186] : memref<10000x64xf32, #tpu.memory_space<vmem_shared>> -> memref<10000x64xf32, #tpu.memory_space<vmem_shared>>
        tpu.wait_indirect_dma semaphore(%arg15 : memref<!tpu.dma_semaphore, #tpu.memory_space<semaphore_mem>>) src(%arg12 : memref<50x64xf32, #tpu.memory_space<vmem>>) dst(%dma_wait3A_187 : memref<10000x64xf32, #tpu.memory_space<vmem_shared>>)
      } else {
      }
      %add3A_99 = arith.constant 2 : i32
      %add3A_100 = arith.addi %add3A_77, %add3A_99 : i32
      %min3A_101 = arith.constant 199 : i32
      %min3A_102 = arith.minsi %add3A_100, %min3A_101 : i32
      %add3A_103 = arith.constant 2 : i32
      %add3A_104 = arith.addi %add3A_77, %add3A_103 : i32
      %lt3A_105 = arith.constant 200 : i32
      %lt3A_106 = arith.cmpi slt, %add3A_104, %lt3A_105 : i32
      %convert_element_type3A_107 = arith.extui %lt3A_106 : i1 to i32
      %cond3A_108 = arith.constant 0 : i32
      %cond3A_109 = arith.cmpi ne, %convert_element_type3A_107, %cond3A_108 : i32
      scf.if %cond3A_109 {
        %dma_start3A_182 = arith.constant 0 : i32
        %dma_start3A_183 = tpu.memref_slice %arg7[%min3A_102, %dma_start3A_182] : memref<200x50xi32, #tpu.memory_space<vmem>> -> memref<1x50xi32, #tpu.memory_space<vmem>>
        %dma_start3A_184 = tpu.memref_squeeze %dma_start3A_183 : memref<1x50xi32, #tpu.memory_space<vmem>> -> memref<50xi32, #tpu.memory_space<vmem>>
        %dma_start3A_185 = arith.constant 0 : i32
        %dma_start3A_186 = arith.constant 0 : i32
        %dma_start3A_187 = tpu.memref_slice %arg2[%dma_start3A_185, %dma_start3A_186] : memref<10000x64xf32, #tpu.memory_space<hbm>> -> memref<10000x64xf32, #tpu.memory_space<hbm>>
        tpu.enqueue_indirect_dma source(%dma_start3A_187 : memref<10000x64xf32, #tpu.memory_space<hbm>>) target(%arg12 : memref<50x64xf32, #tpu.memory_space<vmem>>) offsets(%dma_start3A_184 : memref<50xi32, #tpu.memory_space<vmem>>) semaphore(%arg14 : memref<!tpu.dma_semaphore, #tpu.memory_space<semaphore_mem>>)
      } else {
      }
      %mul3A_110 = arith.constant 4 : i32
      %mul3A_111 = arith.muli %mul3A_110, %scan3A_42 : i32
      %add3A_112 = arith.constant 2 : i32
      %add3A_113 = arith.addi %mul3A_111, %add3A_112 : i32
      %dma_wait3A_114 = arith.constant 0 : i32
      %dma_wait3A_115 = tpu.memref_slice %arg7[%add3A_113, %dma_wait3A_114] : memref<200x50xi32, #tpu.memory_space<vmem>> -> memref<1x50xi32, #tpu.memory_space<vmem>>
      %dma_wait3A_116 = tpu.memref_squeeze %dma_wait3A_115 : memref<1x50xi32, #tpu.memory_space<vmem>> -> memref<50xi32, #tpu.memory_space<vmem>>
      %dma_wait3A_117 = arith.constant 0 : i32
      %dma_wait3A_118 = arith.constant 0 : i32
      %dma_wait3A_119 = tpu.memref_slice %arg2[%dma_wait3A_117, %dma_wait3A_118] : memref<10000x64xf32, #tpu.memory_space<hbm>> -> memref<10000x64xf32, #tpu.memory_space<hbm>>
      tpu.wait_indirect_dma semaphore(%arg14 : memref<!tpu.dma_semaphore, #tpu.memory_space<semaphore_mem>>) src(%dma_wait3A_119 : memref<10000x64xf32, #tpu.memory_space<hbm>>) dst(%arg11 : memref<50x64xf32, #tpu.memory_space<vmem>>)
      %dma_start3A_120 = arith.constant 0 : i32
      %dma_start3A_121 = tpu.memref_slice %arg8[%add3A_113, %dma_start3A_120] : memref<200x50xi32, #tpu.memory_space<vmem>> -> memref<1x50xi32, #tpu.memory_space<vmem>>
      %dma_start3A_122 = tpu.memref_squeeze %dma_start3A_121 : memref<1x50xi32, #tpu.memory_space<vmem>> -> memref<50xi32, #tpu.memory_space<vmem>>
      %dma_start3A_123 = arith.constant 0 : i32
      %dma_start3A_124 = arith.constant 0 : i32
      %dma_start3A_125 = tpu.memref_slice %arg13[%dma_start3A_123, %dma_start3A_124] : memref<10000x64xf32, #tpu.memory_space<vmem_shared>> -> memref<10000x64xf32, #tpu.memory_space<vmem_shared>>
      tpu.enqueue_indirect_dma source(%arg11 : memref<50x64xf32, #tpu.memory_space<vmem>>) target(%dma_start3A_125 : memref<10000x64xf32, #tpu.memory_space<vmem_shared>>) offsets(%dma_start3A_122 : memref<50xi32, #tpu.memory_space<vmem>>) semaphore(%arg15 : memref<!tpu.dma_semaphore, #tpu.memory_space<semaphore_mem>>) {add = true}
      %sub3A_126 = arith.constant 2 : i32
      %sub3A_127 = arith.subi %add3A_113, %sub3A_126 : i32
      %max3A_128 = arith.constant 0 : i32
      %max3A_129 = arith.maxsi %sub3A_127, %max3A_128 : i32
      %ge3A_130 = arith.constant 2 : i32
      %ge3A_131 = arith.cmpi sge, %add3A_113, %ge3A_130 : i32
      %convert_element_type3A_132 = arith.extui %ge3A_131 : i1 to i32
      %cond3A_133 = arith.constant 0 : i32
      %cond3A_134 = arith.cmpi ne, %convert_element_type3A_132, %cond3A_133 : i32
      scf.if %cond3A_134 {
        %dma_wait3A_182 = arith.constant 0 : i32
        %dma_wait3A_183 = tpu.memref_slice %arg8[%max3A_129, %dma_wait3A_182] : memref<200x50xi32, #tpu.memory_space<vmem>> -> memref<1x50xi32, #tpu.memory_space<vmem>>
        %dma_wait3A_184 = tpu.memref_squeeze %dma_wait3A_183 : memref<1x50xi32, #tpu.memory_space<vmem>> -> memref<50xi32, #tpu.memory_space<vmem>>
        %dma_wait3A_185 = arith.constant 0 : i32
        %dma_wait3A_186 = arith.constant 0 : i32
        %dma_wait3A_187 = tpu.memref_slice %arg13[%dma_wait3A_185, %dma_wait3A_186] : memref<10000x64xf32, #tpu.memory_space<vmem_shared>> -> memref<10000x64xf32, #tpu.memory_space<vmem_shared>>
        tpu.wait_indirect_dma semaphore(%arg15 : memref<!tpu.dma_semaphore, #tpu.memory_space<semaphore_mem>>) src(%arg9 : memref<50x64xf32, #tpu.memory_space<vmem>>) dst(%dma_wait3A_187 : memref<10000x64xf32, #tpu.memory_space<vmem_shared>>)
      } else {
      }
      %add3A_135 = arith.constant 2 : i32
      %add3A_136 = arith.addi %add3A_113, %add3A_135 : i32
      %min3A_137 = arith.constant 199 : i32
      %min3A_138 = arith.minsi %add3A_136, %min3A_137 : i32
      %add3A_139 = arith.constant 2 : i32
      %add3A_140 = arith.addi %add3A_113, %add3A_139 : i32
      %lt3A_141 = arith.constant 200 : i32
      %lt3A_142 = arith.cmpi slt, %add3A_140, %lt3A_141 : i32
      %convert_element_type3A_143 = arith.extui %lt3A_142 : i1 to i32
      %cond3A_144 = arith.constant 0 : i32
      %cond3A_145 = arith.cmpi ne, %convert_element_type3A_143, %cond3A_144 : i32
      scf.if %cond3A_145 {
        %dma_start3A_182 = arith.constant 0 : i32
        %dma_start3A_183 = tpu.memref_slice %arg7[%min3A_138, %dma_start3A_182] : memref<200x50xi32, #tpu.memory_space<vmem>> -> memref<1x50xi32, #tpu.memory_space<vmem>>
        %dma_start3A_184 = tpu.memref_squeeze %dma_start3A_183 : memref<1x50xi32, #tpu.memory_space<vmem>> -> memref<50xi32, #tpu.memory_space<vmem>>
        %dma_start3A_185 = arith.constant 0 : i32
        %dma_start3A_186 = arith.constant 0 : i32
        %dma_start3A_187 = tpu.memref_slice %arg2[%dma_start3A_185, %dma_start3A_186] : memref<10000x64xf32, #tpu.memory_space<hbm>> -> memref<10000x64xf32, #tpu.memory_space<hbm>>
        tpu.enqueue_indirect_dma source(%dma_start3A_187 : memref<10000x64xf32, #tpu.memory_space<hbm>>) target(%arg9 : memref<50x64xf32, #tpu.memory_space<vmem>>) offsets(%dma_start3A_184 : memref<50xi32, #tpu.memory_space<vmem>>) semaphore(%arg14 : memref<!tpu.dma_semaphore, #tpu.memory_space<semaphore_mem>>)
      } else {
      }
      %mul3A_146 = arith.constant 4 : i32
      %mul3A_147 = arith.muli %mul3A_146, %scan3A_42 : i32
      %add3A_148 = arith.constant 3 : i32
      %add3A_149 = arith.addi %mul3A_147, %add3A_148 : i32
      %dma_wait3A_150 = arith.constant 0 : i32
      %dma_wait3A_151 = tpu.memref_slice %arg7[%add3A_149, %dma_wait3A_150] : memref<200x50xi32, #tpu.memory_space<vmem>> -> memref<1x50xi32, #tpu.memory_space<vmem>>
      %dma_wait3A_152 = tpu.memref_squeeze %dma_wait3A_151 : memref<1x50xi32, #tpu.memory_space<vmem>> -> memref<50xi32, #tpu.memory_space<vmem>>
      %dma_wait3A_153 = arith.constant 0 : i32
      %dma_wait3A_154 = arith.constant 0 : i32
      %dma_wait3A_155 = tpu.memref_slice %arg2[%dma_wait3A_153, %dma_wait3A_154] : memref<10000x64xf32, #tpu.memory_space<hbm>> -> memref<10000x64xf32, #tpu.memory_space<hbm>>
      tpu.wait_indirect_dma semaphore(%arg14 : memref<!tpu.dma_semaphore, #tpu.memory_space<semaphore_mem>>) src(%dma_wait3A_155 : memref<10000x64xf32, #tpu.memory_space<hbm>>) dst(%arg12 : memref<50x64xf32, #tpu.memory_space<vmem>>)
      %dma_start3A_156 = arith.constant 0 : i32
      %dma_start3A_157 = tpu.memref_slice %arg8[%add3A_149, %dma_start3A_156] : memref<200x50xi32, #tpu.memory_space<vmem>> -> memref<1x50xi32, #tpu.memory_space<vmem>>
      %dma_start3A_158 = tpu.memref_squeeze %dma_start3A_157 : memref<1x50xi32, #tpu.memory_space<vmem>> -> memref<50xi32, #tpu.memory_space<vmem>>
      %dma_start3A_159 = arith.constant 0 : i32
      %dma_start3A_160 = arith.constant 0 : i32
      %dma_start3A_161 = tpu.memref_slice %arg13[%dma_start3A_159, %dma_start3A_160] : memref<10000x64xf32, #tpu.memory_space<vmem_shared>> -> memref<10000x64xf32, #tpu.memory_space<vmem_shared>>
      tpu.enqueue_indirect_dma source(%arg12 : memref<50x64xf32, #tpu.memory_space<vmem>>) target(%dma_start3A_161 : memref<10000x64xf32, #tpu.memory_space<vmem_shared>>) offsets(%dma_start3A_158 : memref<50xi32, #tpu.memory_space<vmem>>) semaphore(%arg15 : memref<!tpu.dma_semaphore, #tpu.memory_space<semaphore_mem>>) {add = true}
      %sub3A_162 = arith.constant 2 : i32
      %sub3A_163 = arith.subi %add3A_149, %sub3A_162 : i32
      %max3A_164 = arith.constant 0 : i32
      %max3A_165 = arith.maxsi %sub3A_163, %max3A_164 : i32
      %ge3A_166 = arith.constant 2 : i32
      %ge3A_167 = arith.cmpi sge, %add3A_149, %ge3A_166 : i32
      %convert_element_type3A_168 = arith.extui %ge3A_167 : i1 to i32
      %cond3A_169 = arith.constant 0 : i32
      %cond3A_170 = arith.cmpi ne, %convert_element_type3A_168, %cond3A_169 : i32
      scf.if %cond3A_170 {
        %dma_wait3A_182 = arith.constant 0 : i32
        %dma_wait3A_183 = tpu.memref_slice %arg8[%max3A_165, %dma_wait3A_182] : memref<200x50xi32, #tpu.memory_space<vmem>> -> memref<1x50xi32, #tpu.memory_space<vmem>>
        %dma_wait3A_184 = tpu.memref_squeeze %dma_wait3A_183 : memref<1x50xi32, #tpu.memory_space<vmem>> -> memref<50xi32, #tpu.memory_space<vmem>>
        %dma_wait3A_185 = arith.constant 0 : i32
        %dma_wait3A_186 = arith.constant 0 : i32
        %dma_wait3A_187 = tpu.memref_slice %arg13[%dma_wait3A_185, %dma_wait3A_186] : memref<10000x64xf32, #tpu.memory_space<vmem_shared>> -> memref<10000x64xf32, #tpu.memory_space<vmem_shared>>
        tpu.wait_indirect_dma semaphore(%arg15 : memref<!tpu.dma_semaphore, #tpu.memory_space<semaphore_mem>>) src(%arg10 : memref<50x64xf32, #tpu.memory_space<vmem>>) dst(%dma_wait3A_187 : memref<10000x64xf32, #tpu.memory_space<vmem_shared>>)
      } else {
      }
      %add3A_171 = arith.constant 2 : i32
      %add3A_172 = arith.addi %add3A_149, %add3A_171 : i32
      %min3A_173 = arith.constant 199 : i32
      %min3A_174 = arith.minsi %add3A_172, %min3A_173 : i32
      %add3A_175 = arith.constant 2 : i32
      %add3A_176 = arith.addi %add3A_149, %add3A_175 : i32
      %lt3A_177 = arith.constant 200 : i32
      %lt3A_178 = arith.cmpi slt, %add3A_176, %lt3A_177 : i32
      %convert_element_type3A_179 = arith.extui %lt3A_178 : i1 to i32
      %cond3A_180 = arith.constant 0 : i32
      %cond3A_181 = arith.cmpi ne, %convert_element_type3A_179, %cond3A_180 : i32
      scf.if %cond3A_181 {
        %dma_start3A_182 = arith.constant 0 : i32
        %dma_start3A_183 = tpu.memref_slice %arg7[%min3A_174, %dma_start3A_182] : memref<200x50xi32, #tpu.memory_space<vmem>> -> memref<1x50xi32, #tpu.memory_space<vmem>>
        %dma_start3A_184 = tpu.memref_squeeze %dma_start3A_183 : memref<1x50xi32, #tpu.memory_space<vmem>> -> memref<50xi32, #tpu.memory_space<vmem>>
        %dma_start3A_185 = arith.constant 0 : i32
        %dma_start3A_186 = arith.constant 0 : i32
        %dma_start3A_187 = tpu.memref_slice %arg2[%dma_start3A_185, %dma_start3A_186] : memref<10000x64xf32, #tpu.memory_space<hbm>> -> memref<10000x64xf32, #tpu.memory_space<hbm>>
        tpu.enqueue_indirect_dma source(%dma_start3A_187 : memref<10000x64xf32, #tpu.memory_space<hbm>>) target(%arg10 : memref<50x64xf32, #tpu.memory_space<vmem>>) offsets(%dma_start3A_184 : memref<50xi32, #tpu.memory_space<vmem>>) semaphore(%arg14 : memref<!tpu.dma_semaphore, #tpu.memory_space<semaphore_mem>>)
      } else {
      }
    }
    %scan3A_22 = arith.constant 50 : i32
    %dma_wait3A = arith.constant 198 : i32
    %dma_wait3A_23 = arith.constant 0 : i32
    %dma_wait3A_24 = tpu.memref_slice %arg8[%dma_wait3A, %dma_wait3A_23] : memref<200x50xi32, #tpu.memory_space<vmem>> -> memref<1x50xi32, #tpu.memory_space<vmem>>
    %dma_wait3A_25 = tpu.memref_squeeze %dma_wait3A_24 : memref<1x50xi32, #tpu.memory_space<vmem>> -> memref<50xi32, #tpu.memory_space<vmem>>
    %dma_wait3A_26 = arith.constant 0 : i32
    %dma_wait3A_27 = arith.constant 0 : i32
    %dma_wait3A_28 = tpu.memref_slice %arg13[%dma_wait3A_26, %dma_wait3A_27] : memref<10000x64xf32, #tpu.memory_space<vmem_shared>> -> memref<10000x64xf32, #tpu.memory_space<vmem_shared>>
    tpu.wait_indirect_dma semaphore(%arg15 : memref<!tpu.dma_semaphore, #tpu.memory_space<semaphore_mem>>) src(%arg11 : memref<50x64xf32, #tpu.memory_space<vmem>>) dst(%dma_wait3A_28 : memref<10000x64xf32, #tpu.memory_space<vmem_shared>>)
    %dma_wait3A_29 = arith.constant 199 : i32
    %dma_wait3A_30 = arith.constant 0 : i32
    %dma_wait3A_31 = tpu.memref_slice %arg8[%dma_wait3A_29, %dma_wait3A_30] : memref<200x50xi32, #tpu.memory_space<vmem>> -> memref<1x50xi32, #tpu.memory_space<vmem>>
    %dma_wait3A_32 = tpu.memref_squeeze %dma_wait3A_31 : memref<1x50xi32, #tpu.memory_space<vmem>> -> memref<50xi32, #tpu.memory_space<vmem>>
    %dma_wait3A_33 = arith.constant 0 : i32
    %dma_wait3A_34 = arith.constant 0 : i32
    %dma_wait3A_35 = tpu.memref_slice %arg13[%dma_wait3A_33, %dma_wait3A_34] : memref<10000x64xf32, #tpu.memory_space<vmem_shared>> -> memref<10000x64xf32, #tpu.memory_space<vmem_shared>>
    tpu.wait_indirect_dma semaphore(%arg15 : memref<!tpu.dma_semaphore, #tpu.memory_space<semaphore_mem>>) src(%arg12 : memref<50x64xf32, #tpu.memory_space<vmem>>) dst(%dma_wait3A_35 : memref<10000x64xf32, #tpu.memory_space<vmem_shared>>)
    %barrier3A_36 = arith.constant 0 : index
    tpu.barrier barrier_id(%barrier3A_36)
    "tpu.region"() ({
      %run_scoped3A = tpu.sem_alloc : memref<!tpu.dma_semaphore, #tpu.memory_space<semaphore_mem>>
      %dma_start3A_42 = arith.constant 0 : i32
      %dma_start3A_43 = tpu.memref_slice %arg6[%arg0, %mul3A_2, %dma_start3A_42] : memref<2x10000x64xf32, #tpu.memory_space<hbm>> -> memref<1x624x64xf32, #tpu.memory_space<hbm>>
      %dma_start3A_44 = tpu.memref_squeeze %dma_start3A_43 : memref<1x624x64xf32, #tpu.memory_space<hbm>> -> memref<624x64xf32, #tpu.memory_space<hbm>>
      %dma_start3A_45 = arith.constant 0 : i32
      %dma_start3A_46 = tpu.memref_slice %arg13[%mul3A_2, %dma_start3A_45] : memref<10000x64xf32, #tpu.memory_space<vmem_shared>> -> memref<624x64xf32, #tpu.memory_space<vmem_shared>>
      tpu.enqueue_dma source(%dma_start3A_46 : memref<624x64xf32, #tpu.memory_space<vmem_shared>>) target(%dma_start3A_44 : memref<624x64xf32, #tpu.memory_space<hbm>>) target_semaphore(%run_scoped3A : memref<!tpu.dma_semaphore, #tpu.memory_space<semaphore_mem>>)
      %dma_wait3A_47 = arith.constant 0 : i32
      %dma_wait3A_48 = tpu.memref_slice %arg6[%arg0, %mul3A_2, %dma_wait3A_47] : memref<2x10000x64xf32, #tpu.memory_space<hbm>> -> memref<1x624x64xf32, #tpu.memory_space<hbm>>
      %dma_wait3A_49 = tpu.memref_squeeze %dma_wait3A_48 : memref<1x624x64xf32, #tpu.memory_space<hbm>> -> memref<624x64xf32, #tpu.memory_space<hbm>>
      %dma_wait3A_50 = arith.constant 0 : i32
      %dma_wait3A_51 = tpu.memref_slice %arg13[%mul3A_2, %dma_wait3A_50] : memref<10000x64xf32, #tpu.memory_space<vmem_shared>> -> memref<624x64xf32, #tpu.memory_space<vmem_shared>>
      tpu.wait_dma2 semaphore(%run_scoped3A : memref<!tpu.dma_semaphore, #tpu.memory_space<semaphore_mem>>) src(%dma_wait3A_51 : memref<624x64xf32, #tpu.memory_space<vmem_shared>>) dst(%dma_wait3A_49 : memref<624x64xf32, #tpu.memory_space<hbm>>)
      tpu.yield
    }) : () -> ()
    %eq3A_37 = arith.constant 15 : i32
    %eq3A_38 = arith.cmpi eq, %arg1, %eq3A_37 : i32
    %convert_element_type3A_39 = arith.extui %eq3A_38 : i1 to i32
    %cond3A_40 = arith.constant 0 : i32
    %cond3A_41 = arith.cmpi ne, %convert_element_type3A_39, %cond3A_40 : i32
    scf.if %cond3A_41 {
      "tpu.region"() ({
        %run_scoped3A = tpu.sem_alloc : memref<!tpu.dma_semaphore, #tpu.memory_space<semaphore_mem>>
        %dma_start3A_42 = arith.constant 9984 : i32
        %dma_start3A_43 = arith.constant 0 : i32
        %dma_start3A_44 = tpu.memref_slice %arg6[%arg0, %dma_start3A_42, %dma_start3A_43] : memref<2x10000x64xf32, #tpu.memory_space<hbm>> -> memref<1x16x64xf32, #tpu.memory_space<hbm>>
        %dma_start3A_45 = tpu.memref_squeeze %dma_start3A_44 : memref<1x16x64xf32, #tpu.memory_space<hbm>> -> memref<16x64xf32, #tpu.memory_space<hbm>>
        %dma_start3A_46 = arith.constant 9984 : i32
        %dma_start3A_47 = arith.constant 0 : i32
        %dma_start3A_48 = tpu.memref_slice %arg13[%dma_start3A_46, %dma_start3A_47] : memref<10000x64xf32, #tpu.memory_space<vmem_shared>> -> memref<16x64xf32, #tpu.memory_space<vmem_shared>>
        tpu.enqueue_dma source(%dma_start3A_48 : memref<16x64xf32, #tpu.memory_space<vmem_shared>>) target(%dma_start3A_45 : memref<16x64xf32, #tpu.memory_space<hbm>>) target_semaphore(%run_scoped3A : memref<!tpu.dma_semaphore, #tpu.memory_space<semaphore_mem>>)
        %dma_wait3A_49 = arith.constant 9984 : i32
        %dma_wait3A_50 = arith.constant 0 : i32
        %dma_wait3A_51 = tpu.memref_slice %arg6[%arg0, %dma_wait3A_49, %dma_wait3A_50] : memref<2x10000x64xf32, #tpu.memory_space<hbm>> -> memref<1x16x64xf32, #tpu.memory_space<hbm>>
        %dma_wait3A_52 = tpu.memref_squeeze %dma_wait3A_51 : memref<1x16x64xf32, #tpu.memory_space<hbm>> -> memref<16x64xf32, #tpu.memory_space<hbm>>
        %dma_wait3A_53 = arith.constant 9984 : i32
        %dma_wait3A_54 = arith.constant 0 : i32
        %dma_wait3A_55 = tpu.memref_slice %arg13[%dma_wait3A_53, %dma_wait3A_54] : memref<10000x64xf32, #tpu.memory_space<vmem_shared>> -> memref<16x64xf32, #tpu.memory_space<vmem_shared>>
        tpu.wait_dma2 semaphore(%run_scoped3A : memref<!tpu.dma_semaphore, #tpu.memory_space<semaphore_mem>>) src(%dma_wait3A_55 : memref<16x64xf32, #tpu.memory_space<vmem_shared>>) dst(%dma_wait3A_52 : memref<16x64xf32, #tpu.memory_space<hbm>>)
        tpu.yield
      }) : () -> ()
    } else {
    }
    return
  }
}

module attributes {stable_mosaic.version = 14 : i64} {
  func.func @_mm_body(%arg0: i32, %arg1: memref<1000x128xf32, #tpu.memory_space<vmem>>, %arg2: memref<128x128xf32, #tpu.memory_space<vmem>>, %arg3: memref<1000x128xf32, #tpu.memory_space<vmem>>) attributes {dimension_semantics = [#tpu.dimension_semantics<arbitrary>], iteration_bounds = array<i64: 10>, scalar_prefetch = 0 : i64, scratch_operands = 0 : i64, tpu.core_type = #tpu.core_type<tc>, window_params = [{transform_indices = @transform_0, window_bounds = array<i64: 1000, 128>}, {pipeline_mode = #tpu.pipeline_mode<synchronous>, transform_indices = @transform_1, window_bounds = array<i64: 128, 128>}, {transform_indices = @transform_2, window_bounds = array<i64: 1000, 128>}]} {
    %get3A = arith.constant 0 : index
    %get3A_0 = arith.constant 0 : index
    %get3A_1 = vector.load %arg1[%get3A, %get3A_0] : memref<1000x128xf32, #tpu.memory_space<vmem>>, vector<1000x128xf32>
    %get3A_2 = arith.constant 0 : index
    %get3A_3 = arith.constant 0 : index
    %get3A_4 = vector.load %arg2[%get3A_2, %get3A_3] : memref<128x128xf32, #tpu.memory_space<vmem>>, vector<128x128xf32>
    %dot_general3A = arith.constant dense<0.000000e+00> : vector<1000x128xf32>
    %dot_general3A_5 = tpu.matmul %get3A_1, %get3A_4, %dot_general3A {dimension_numbers = #tpu.dot_dimension_numbers<[1], [0], [0], [1], [0, 0, 1, 1], [], []>, transpose_lhs_hint = false} : vector<1000x128xf32>, vector<128x128xf32>, vector<1000x128xf32> -> vector<1000x128xf32>
    %swap3A = arith.constant 0 : index
    %swap3A_6 = arith.constant 0 : index
    %swap3A_7 = vector.load %arg3[%swap3A, %swap3A_6] : memref<1000x128xf32, #tpu.memory_space<vmem>>, vector<1000x128xf32>
    tpu.vector_store %arg3[%swap3A, %swap3A_6], %dot_general3A_5 {strides = array<i32>} : memref<1000x128xf32, #tpu.memory_space<vmem>>, vector<1000x128xf32>,
    return
  }
  func.func @transform_0(%arg0: i32) -> (i32, i32) {
    %c0_i32 = arith.constant 0 : i32
    %c0_i32_0 = arith.constant 0 : i32
    return %arg0, %c0_i32 : i32, i32
  }
  func.func @transform_1(%arg0: i32) -> (i32, i32) {
    %c0_i32 = arith.constant 0 : i32
    %c0_i32_0 = arith.constant 0 : i32
    %c0_i32_1 = arith.constant 0 : i32
    return %c0_i32, %c0_i32_0 : i32, i32
  }
  func.func @transform_2(%arg0: i32) -> (i32, i32) {
    %c0_i32 = arith.constant 0 : i32
    %c0_i32_0 = arith.constant 0 : i32
    return %arg0, %c0_i32 : i32, i32
  }
}

module attributes {stable_mosaic.version = 14 : i64} {
  func.func @_relu_mm_body(%arg0: i32, %arg1: memref<2x1000x128xf32, #tpu.memory_space<vmem>>, %arg2: memref<1x128xf32, #tpu.memory_space<vmem>>, %arg3: memref<128x64xf32, #tpu.memory_space<vmem>>, %arg4: memref<1000x64xf32, #tpu.memory_space<vmem>>) attributes {dimension_semantics = [#tpu.dimension_semantics<arbitrary>], iteration_bounds = array<i64: 10>, scalar_prefetch = 0 : i64, scratch_operands = 0 : i64, tpu.core_type = #tpu.core_type<tc>, window_params = [{transform_indices = @transform_0, window_bounds = array<i64: 2, 1000, 128>}, {pipeline_mode = #tpu.pipeline_mode<synchronous>, transform_indices = @transform_1, window_bounds = array<i64: 1, 128>}, {pipeline_mode = #tpu.pipeline_mode<synchronous>, transform_indices = @transform_2, window_bounds = array<i64: 128, 64>}, {transform_indices = @transform_3, window_bounds = array<i64: 1000, 64>}]} {
    %get3A = arith.constant 0 : index
    %get3A_0 = arith.constant 0 : index
    %get3A_1 = arith.constant 0 : index
    %get3A_2 = vector.load %arg1[%get3A, %get3A_0, %get3A_1] : memref<2x1000x128xf32, #tpu.memory_space<vmem>>, vector<1x1000x128xf32>
    %get3A_3 = vector.shape_cast %get3A_2 : vector<1x1000x128xf32> to vector<1000x128xf32>
    %get3A_4 = arith.constant 1 : index
    %get3A_5 = arith.constant 0 : index
    %get3A_6 = arith.constant 0 : index
    %get3A_7 = vector.load %arg1[%get3A_4, %get3A_5, %get3A_6] : memref<2x1000x128xf32, #tpu.memory_space<vmem>>, vector<1x1000x128xf32>
    %get3A_8 = vector.shape_cast %get3A_7 : vector<1x1000x128xf32> to vector<1000x128xf32>
    %add3A = arith.addf %get3A_3, %get3A_8 : vector<1000x128xf32>
    %get3A_9 = arith.constant 0 : index
    %get3A_10 = arith.constant 0 : index
    %get3A_11 = vector.load %arg2[%get3A_9, %get3A_10] : memref<1x128xf32, #tpu.memory_space<vmem>>, vector<1x128xf32>
    %add3A_12 = vector.broadcast %get3A_11 : vector<1x128xf32> to vector<1000x128xf32>
    %add3A_13 = arith.addf %add3A, %add3A_12 : vector<1000x128xf32>
    %max3A = arith.constant 0.000000e+00 : f32
    %max3A_14 = vector.broadcast %max3A : f32 to vector<1000x128xf32>
    %max3A_15 = arith.maximumf %add3A_13, %max3A_14 : vector<1000x128xf32>
    %get3A_16 = arith.constant 0 : index
    %get3A_17 = arith.constant 0 : index
    %get3A_18 = vector.load %arg3[%get3A_16, %get3A_17] : memref<128x64xf32, #tpu.memory_space<vmem>>, vector<128x64xf32>
    %dot_general3A = arith.constant dense<0.000000e+00> : vector<1000x64xf32>
    %dot_general3A_19 = tpu.matmul %max3A_15, %get3A_18, %dot_general3A {dimension_numbers = #tpu.dot_dimension_numbers<[1], [0], [0], [1], [0, 0, 1, 1], [], []>, transpose_lhs_hint = false} : vector<1000x128xf32>, vector<128x64xf32>, vector<1000x64xf32> -> vector<1000x64xf32>
    %swap3A = arith.constant 0 : index
    %swap3A_20 = arith.constant 0 : index
    %swap3A_21 = vector.load %arg4[%swap3A, %swap3A_20] : memref<1000x64xf32, #tpu.memory_space<vmem>>, vector<1000x64xf32>
    tpu.vector_store %arg4[%swap3A, %swap3A_20], %dot_general3A_19 {strides = array<i32>} : memref<1000x64xf32, #tpu.memory_space<vmem>>, vector<1000x64xf32>,
    return
  }
  func.func @transform_0(%arg0: i32) -> (i32, i32, i32) {
    %c0_i32 = arith.constant 0 : i32
    %c0_i32_0 = arith.constant 0 : i32
    %c0_i32_1 = arith.constant 0 : i32
    return %c0_i32, %arg0, %c0_i32_0 : i32, i32, i32
  }
  func.func @transform_1(%arg0: i32) -> (i32, i32) {
    %c0_i32 = arith.constant 0 : i32
    %c0_i32_0 = arith.constant 0 : i32
    %c0_i32_1 = arith.constant 0 : i32
    return %c0_i32, %c0_i32_0 : i32, i32
  }
  func.func @transform_2(%arg0: i32) -> (i32, i32) {
    %c0_i32 = arith.constant 0 : i32
    %c0_i32_0 = arith.constant 0 : i32
    %c0_i32_1 = arith.constant 0 : i32
    return %c0_i32, %c0_i32_0 : i32, i32
  }
  func.func @transform_3(%arg0: i32) -> (i32, i32) {
    %c0_i32 = arith.constant 0 : i32
    %c0_i32_0 = arith.constant 0 : i32
    return %arg0, %c0_i32 : i32, i32
  }
}

module attributes {stable_mosaic.version = 14 : i64} {
  func.func @_decoder_body(%arg0: i32, %arg1: memref<2x1000x64xf32, #tpu.memory_space<vmem>>, %arg2: memref<1x64xf32, #tpu.memory_space<vmem>>, %arg3: memref<1000x64xf32, #tpu.memory_space<vmem>>, %arg4: memref<64x64xf32, #tpu.memory_space<vmem>>) attributes {dimension_semantics = [#tpu.dimension_semantics<arbitrary>], iteration_bounds = array<i64: 10>, scalar_prefetch = 0 : i64, scratch_operands = 0 : i64, tpu.core_type = #tpu.core_type<tc>, window_params = [{transform_indices = @transform_0, window_bounds = array<i64: 2, 1000, 64>}, {pipeline_mode = #tpu.pipeline_mode<synchronous>, transform_indices = @transform_1, window_bounds = array<i64: 1, 64>}, {transform_indices = @transform_2, window_bounds = array<i64: 1000, 64>}, {pipeline_mode = #tpu.pipeline_mode<synchronous>, transform_indices = @transform_3, window_bounds = array<i64: 64, 64>}]} {
    %get3A = arith.constant 0 : index
    %get3A_0 = arith.constant 0 : index
    %get3A_1 = arith.constant 0 : index
    %get3A_2 = vector.load %arg1[%get3A, %get3A_0, %get3A_1] : memref<2x1000x64xf32, #tpu.memory_space<vmem>>, vector<1x1000x64xf32>
    %get3A_3 = vector.shape_cast %get3A_2 : vector<1x1000x64xf32> to vector<1000x64xf32>
    %get3A_4 = arith.constant 1 : index
    %get3A_5 = arith.constant 0 : index
    %get3A_6 = arith.constant 0 : index
    %get3A_7 = vector.load %arg1[%get3A_4, %get3A_5, %get3A_6] : memref<2x1000x64xf32, #tpu.memory_space<vmem>>, vector<1x1000x64xf32>
    %get3A_8 = vector.shape_cast %get3A_7 : vector<1x1000x64xf32> to vector<1000x64xf32>
    %add3A = arith.addf %get3A_3, %get3A_8 : vector<1000x64xf32>
    %get3A_9 = arith.constant 0 : index
    %get3A_10 = arith.constant 0 : index
    %get3A_11 = vector.load %arg2[%get3A_9, %get3A_10] : memref<1x64xf32, #tpu.memory_space<vmem>>, vector<1x64xf32>
    %add3A_12 = vector.broadcast %get3A_11 : vector<1x64xf32> to vector<1000x64xf32>
    %add3A_13 = arith.addf %add3A, %add3A_12 : vector<1000x64xf32>
    %exp3A = math.exp %add3A_13 : vector<1000x64xf32>
    %sqrt3A = math.sqrt %exp3A : vector<1000x64xf32>
    %get3A_14 = arith.constant 0 : index
    %get3A_15 = arith.constant 0 : index
    %get3A_16 = vector.load %arg3[%get3A_14, %get3A_15] : memref<1000x64xf32, #tpu.memory_space<vmem>>, vector<1000x64xf32>
    %mul3A = arith.mulf %sqrt3A, %get3A_16 : vector<1000x64xf32>
    %add3A_17 = arith.addf %add3A_13, %mul3A : vector<1000x64xf32>
    %dot_general3A = arith.constant dense<0.000000e+00> : vector<64x64xf32>
    %dot_general3A_18 = tpu.matmul %add3A_17, %add3A_17, %dot_general3A {dimension_numbers = #tpu.dot_dimension_numbers<[0], [0], [1], [1], [0, 1, 1, 1], [], []>, transpose_lhs_hint = false} : vector<1000x64xf32>, vector<1000x64xf32>, vector<64x64xf32> -> vector<64x64xf32>
    %eq3A = arith.constant 0 : i32
    %eq3A_19 = arith.cmpi eq, %arg0, %eq3A : i32
    %convert_element_type3A = arith.extui %eq3A_19 : i1 to i32
    %cond3A = arith.constant 0 : i32
    %cond3A_20 = arith.cmpi ne, %convert_element_type3A, %cond3A : i32
    scf.if %cond3A_20 {
      %swap3A = arith.constant 0 : index
      %swap3A_30 = arith.constant 0 : index
      %swap3A_31 = vector.load %arg4[%swap3A, %swap3A_30] : memref<64x64xf32, #tpu.memory_space<vmem>>, vector<64x64xf32>
      tpu.vector_store %arg4[%swap3A, %swap3A_30], %dot_general3A_18 {strides = array<i32>} : memref<64x64xf32, #tpu.memory_space<vmem>>, vector<64x64xf32>,
    } else {
    }
    %gt3A = arith.constant 0 : i32
    %gt3A_21 = arith.cmpi sgt, %arg0, %gt3A : i32
    %convert_element_type3A_22 = arith.extui %gt3A_21 : i1 to i32
    %cond3A_23 = arith.constant 0 : i32
    %cond3A_24 = arith.cmpi ne, %convert_element_type3A_22, %cond3A_23 : i32
    scf.if %cond3A_24 {
      %get3A_30 = arith.constant 0 : index
      %get3A_31 = arith.constant 0 : index
      %get3A_32 = vector.load %arg4[%get3A_30, %get3A_31] : memref<64x64xf32, #tpu.memory_space<vmem>>, vector<64x64xf32>
      %add3A_33 = arith.addf %get3A_32, %dot_general3A_18 : vector<64x64xf32>
      %swap3A = arith.constant 0 : index
      %swap3A_34 = arith.constant 0 : index
      %swap3A_35 = vector.load %arg4[%swap3A, %swap3A_34] : memref<64x64xf32, #tpu.memory_space<vmem>>, vector<64x64xf32>
      tpu.vector_store %arg4[%swap3A, %swap3A_34], %add3A_33 {strides = array<i32>} : memref<64x64xf32, #tpu.memory_space<vmem>>, vector<64x64xf32>,
    } else {
    }
    %eq3A_25 = arith.constant 9 : i32
    %eq3A_26 = arith.cmpi eq, %arg0, %eq3A_25 : i32
    %convert_element_type3A_27 = arith.extui %eq3A_26 : i1 to i32
    %cond3A_28 = arith.constant 0 : i32
    %cond3A_29 = arith.cmpi ne, %convert_element_type3A_27, %cond3A_28 : i32
    scf.if %cond3A_29 {
      %get3A_30 = arith.constant 0 : index
      %get3A_31 = arith.constant 0 : index
      %get3A_32 = vector.load %arg4[%get3A_30, %get3A_31] : memref<64x64xf32, #tpu.memory_space<vmem>>, vector<64x64xf32>
      %logistic3A = arith.negf %get3A_32 : vector<64x64xf32>
      %logistic3A_33 = math.exp %logistic3A : vector<64x64xf32>
      %logistic3A_34 = arith.constant 1.000000e+00 : f32
      %logistic3A_35 = vector.broadcast %logistic3A_34 : f32 to vector<64x64xf32>
      %logistic3A_36 = arith.addf %logistic3A_35, %logistic3A_33 : vector<64x64xf32>
      %logistic3A_37 = arith.divf %logistic3A_35, %logistic3A_36 : vector<64x64xf32>
      %swap3A = arith.constant 0 : index
      %swap3A_38 = arith.constant 0 : index
      %swap3A_39 = vector.load %arg4[%swap3A, %swap3A_38] : memref<64x64xf32, #tpu.memory_space<vmem>>, vector<64x64xf32>
      tpu.vector_store %arg4[%swap3A, %swap3A_38], %logistic3A_37 {strides = array<i32>} : memref<64x64xf32, #tpu.memory_space<vmem>>, vector<64x64xf32>,
    } else {
    }
    return
  }
  func.func @transform_0(%arg0: i32) -> (i32, i32, i32) {
    %c0_i32 = arith.constant 0 : i32
    %c0_i32_0 = arith.constant 0 : i32
    %c0_i32_1 = arith.constant 0 : i32
    return %c0_i32, %arg0, %c0_i32_0 : i32, i32, i32
  }
  func.func @transform_1(%arg0: i32) -> (i32, i32) {
    %c0_i32 = arith.constant 0 : i32
    %c0_i32_0 = arith.constant 0 : i32
    %c0_i32_1 = arith.constant 0 : i32
    return %c0_i32, %c0_i32_0 : i32, i32
  }
  func.func @transform_2(%arg0: i32) -> (i32, i32) {
    %c0_i32 = arith.constant 0 : i32
    %c0_i32_0 = arith.constant 0 : i32
    return %arg0, %c0_i32 : i32, i32
  }
  func.func @transform_3(%arg0: i32) -> (i32, i32) {
    %c0_i32 = arith.constant 0 : i32
    %c0_i32_0 = arith.constant 0 : i32
    %c0_i32_1 = arith.constant 0 : i32
    return %c0_i32, %c0_i32_0 : i32, i32
  }
}

</mosaic_0001>

<sc_bundles>
// kernel: kernel.10.cloned.1.call-start
scs
__scs_entry_jumppad:
0x0: {  	(pc) =	sbr.rel $0x88, $3  }
0x1: {  	(tag) =	ssettag $0x0;
	lr =	simm.s32 $0x1  }
0x2: {  	[smem:$0x3F9A] =	sst lr;
	_ =	strace $0xD0000000  }
0x3: {  	_ = 	snop  }
0x4: {  	_ = 	snop  }
0x5: {  	_ = 	snop  }
0x6: {  	_ = 	snop  }
0x7: {  	_ = 	snop  }
__scs_overlays_trampoline_lowered:
0x8: {  	[smem:$0x3FA9] =	sst s0  }
0x9: {  	[smem:$0x3FAA] =	sst s1  }
0xa: {  	[smem:$0x3FAB] =	sst s2  }
0xb: {  	[smem:$0x3FAC] =	sst s3  }
0xc: {  	[smem:$0x3FAD] =	sst s4  }
0xd: {  	[smem:$0x3FAE] =	sst s5  }
0xe: {  	[smem:$0x3FAF] =	sst s6  }
0xf: {  	[smem:$0x3FB0] =	sst s7  }
0x10: {  	[smem:$0x3FB1] =	sst s8  }
0x11: {  	[smem:$0x3FB2] =	sst s9;
	s0 =	simm.s32 @!p0 $0x0  }
0x12: {  	s1 =	sld [smem:$0x3F98];
	s0 =	simm.s32 @p0 $0x1  }
0x13: {  	[smem:$0x3FB3] =	sst s0;
	s0 =	simm.s32 @!p1 $0x0  }
0x14: {  	s2 =	sld [smem:$0x3F97];
	s0 =	simm.s32 @p1 $0x1  }
0x15: {  	[smem:$0x3FB4] =	sst s0;
	s0 =	simm.s32 @!p2 $0x0  }
0x16: {  	s3 =	sld [smem:$0x3FDB];
	s0 =	simm.s32 @p2 $0x1  }
0x17: {  	s4 =	simm.s32 $0x1BF5;
	[smem:$0x3FB6] =	sst s0  }
0x18: {  	s0 =	sld [smem:$0x3F99];
	_ =	swait.ge [sflag:s4], $0x0  }
0x19: {  	s7 =	sld [smem:$0x3F9A]  }
0x1a: {  	s8 =	sadd.s32 $0xFFFFE003, lr  }
0x1b: {  	s9 =	sadd.s32 $0xFFFFFEF7, lr;
	s5 =	simm.s32 $0xFFFFFFFF;
	p2 =	slt.u32 s8, $0xFFFFF086  }
0x1c: {  	p1 =	slt.u32 s9, $0xF7A;
	s5 =	simm.s32 @!p2 $0x0  }
0x1d: {  	s5 =	simm.s32 @p1 $0x1;
	p0 =	seq.s32 s7, s2  }
0x1e: {  	s7 =	smul.u32 @!p0 $0xF7A, s2;
	p2 =	seq.s32 @!p0 s5, $0x0  }
0x1f: {  	s9 =	smul.u32 $0xF7A, s1;
	s8 =	simm.s32 @!p0 $0x1BF5;
	p2 =	por !p2, p0  }
0x20: {  	[sflag:s8] =	ssyncset.s32 @!p0 $0xFFFFF086;
	s6 =	sadd.s32 @!p0 s3, s7;
	s7 =	simm.s32 @!p0 $0x108  }
0x21: {  	s3 =	sadd.s32 s3, s9;
	s6 =	sadd.s32 @!p0 $0x88, s6;
	s7 =	simm.s32 @p2 $0x1082  }
0x22: {  	[simem:s7], [sflag:s8] =	dma.local @!p0 [hbm:s6], $0xF7A  }
0x23: {  	s9 =	sor.u32 $0xD0000000, s2;
	s6 =	simm.s32 $0x108;
	_ =	swait.ge @!p0 [sflag:s8], $0x0  }
0x24: {  	s3 =	sadd.s32 $0x88, s3;
	s6 =	simm.s32 @!p1 $0x1082;
	[sflag:s4] =	ssyncset.s32 $0xFFFFF086  }
0x25: {  	[simem:s6], [sflag:s4] =	dma.local [hbm:s3], $0xF7A  }
0x26: {  	[smem:$0x3F9A] =	sst s1;
	(tag) =	ssettag s2;
	_ =	strace s9  }
0x27: {  	s1 =	sld [smem:$0x3FAA]  }
0x28: {  	s2 =	sld [smem:$0x3FAB]  }
0x29: {  	s4 =	sld [smem:$0x3FAD]  }
0x2a: {  	p0 =	seq.s32 s5, $0x0;
	s5 =	sld [smem:$0x3FAE]  }
0x2b: {  	s6 =	sld [smem:$0x3FAF]  }
0x2c: {  	s7 =	sld [smem:$0x3FB0]  }
0x2d: {  	s3 =	simm.s32 $0x108;
	s8 =	sld [smem:$0x3FB1]  }
0x2e: {  	s3 =	simm.s32 @!p0 $0x1082;
	s9 =	sld [smem:$0x3FB2]  }
0x2f: {  	lr =	sadd.s32 s0, s3;
	s0 =	sld [smem:$0x3FA9]  }
0x30: {  	s3 =	sld [smem:$0x3FAC]  }
0x31: {  	[smem:$0x3FB5] =	sst s10  }
0x32: {  	s10 =	sld [smem:$0x3FB3];
	_ =	sdelay $0x3  }
0x33: {  	p0 =	seq.s32 s10, $0x1;
	s10 =	sld [smem:$0x3FB5];
	_ =	sdelay $0x3  }
0x34: {  	[smem:$0x3FB5] =	sst s10  }
0x35: {  	s10 =	sld [smem:$0x3FB4];
	_ =	sdelay $0x3  }
0x36: {  	p1 =	seq.s32 s10, $0x1;
	s10 =	sld [smem:$0x3FB5];
	_ =	sdelay $0x3  }
0x37: {  	[smem:$0x3FB5] =	sst s10  }
0x38: {  	s10 =	sld [smem:$0x3FB6]  }
0x39: {  	_ = 	snop;
	(pc) =	sbr.ind lr, $3  }
0x3a: {  	_ = 	snop  }
0x3b: {  	_ = 	snop  }
0x3c: {  	p2 =	seq.s32 s10, $0x1;
	s10 =	sld [smem:$0x3FB5]  }
0x3d: {  	_ =	shalt  }
0x3e: {  	_ =	shalt  }
0x3f: {  	_ =	shalt  }
0x40: {  	_ =	shalt  }
0x41: {  	_ =	shalt  }
0x42: {  	_ =	shalt  }
0x43: {  	_ =	shalt  }
0x44: {  	_ =	shalt  }
0x45: {  	_ =	shalt  }
0x46: {  	_ =	shalt  }
0x47: {  	_ =	shalt  }
0x48: {  	_ =	shalt  }
0x49: {  	_ =	shalt  }
0x4a: {  	_ =	shalt  }
0x4b: {  	_ =	shalt  }
0x4c: {  	_ =	shalt  }
0x4d: {  	_ =	shalt  }
0x4e: {  	_ =	shalt  }
0x4f: {  	_ =	shalt  }
0x50: {  	_ =	shalt  }
0x51: {  	_ =	shalt  }
0x52: {  	_ =	shalt  }
0x53: {  	_ =	shalt  }
0x54: {  	_ =	shalt  }
0x55: {  	_ =	shalt  }
0x56: {  	_ =	shalt  }
0x57: {  	_ =	shalt  }
0x58: {  	_ =	shalt  }
0x59: {  	_ =	shalt  }
0x5a: {  	_ =	shalt  }
0x5b: {  	_ =	shalt  }
0x5c: {  	_ =	shalt  }
0x5d: {  	_ =	shalt  }
0x5e: {  	_ =	shalt  }
0x5f: {  	_ =	shalt  }
0x60: {  	_ =	shalt  }
0x61: {  	_ =	shalt  }
0x62: {  	_ =	shalt  }
0x63: {  	_ =	shalt  }
0x64: {  	_ =	shalt  }
0x65: {  	_ =	shalt  }
0x66: {  	_ =	shalt  }
0x67: {  	_ =	shalt  }
0x68: {  	_ =	shalt  }
0x69: {  	_ =	shalt  }
0x6a: {  	_ =	shalt  }
0x6b: {  	_ =	shalt  }
0x6c: {  	_ =	shalt  }
0x6d: {  	_ =	shalt  }
0x6e: {  	_ =	shalt  }
0x6f: {  	_ =	shalt  }
0x70: {  	_ =	shalt  }
0x71: {  	_ =	shalt  }
0x72: {  	_ =	shalt  }
0x73: {  	_ =	shalt  }
0x74: {  	_ =	shalt  }
0x75: {  	_ =	shalt  }
0x76: {  	_ =	shalt  }
0x77: {  	_ =	shalt  }
0x78: {  	_ =	shalt  }
0x79: {  	_ =	shalt  }
0x7a: {  	_ =	shalt  }
0x7b: {  	_ =	shalt  }
0x7c: {  	_ =	shalt  }
0x7d: {  	_ =	shalt  }
0x7e: {  	_ =	shalt  }
0x7f: {  	_ =	shalt  }
0x80: {  	_ =	shalt  }
0x81: {  	_ =	shalt  }
0x82: {  	_ =	shalt  }
0x83: {  	_ =	shalt  }
0x84: {  	_ =	shalt  }
0x85: {  	_ =	shalt  }
0x86: {  	_ =	shalt  }
0x87: {  	_ =	shalt  }
.Lfunc_end0:
.L_simem_size_0:
called_computation.1_lowered:
.L_overlay_start_0:
0x88: {  	s2 =	sld [smem:$0x3FD9]  }
0x89: {  	s3 =	sld [smem:$0x3FFE];
	_ =	sdelay $0x1  }
0x8a: {  	s1 =	srdreg.scid  }
0x8b: {  	s0 =	sand.u32 $0x1, s1  }
0x8c: {  	s16 =	sshll.u32 s0, $0xA;
	s2 =	sadd.s32 s3, s2  }
0x8d: {  	s2 =	sadd.s32 s2, s16  }
0x8e: {  	[smem:$0x3FC1] =	sst s2  }
0x8f: {  	_ = 	snop  }
0x90: {  	(tm) =	ssettm $0x1  }
0x91: {  	s17 =	sld [smem:$0x3FFB];
	_ =	sdelay $0x3  }
0x92: {  	_ =	strace s17  }
0x93: {  	s2 =	sld [smem:$0x3FFC];
	_ =	sdelay $0x3  }
0x94: {  	_ =	strace s2  }
0x95: {  	s2 =	sld [smem:$0x3FFD];
	_ =	sdelay $0x3  }
0x96: {  	_ =	strace s2  }
0x97: {  	_ =	strace $0x8FFFFFFF  }
0x98: {  	s18 =	sld [smem:$0x3FDB];
	_ =	sdelay $0x1  }
0x99: {  	s19 =	simm.s32 $_scs_section_size  }
0x9a: {  	s4 =	simm.s32 $_size__tile_overlayer_lowered;
	s5 =	simm.s32 $_tile_overlayer_lowered  }
0x9b: {  	s22 =	simm.s32 $0x1BFF;
	s21 =	sshll.u32 s5, $0x1;
	s2 =	sadd.s32 s19, s18  }
0x9c: {  	s6 =	simm.s32 $0x0;
	s20 =	sshll.u32 s4, $0x1;
	s4 =	sadd.s32 s21, s2  }
0x9d: {  	[timem:s6], [sflag:s22] =	dma.local [hbm:s4], s20  }
0x9e: {  	_ =	swait.ge [sflag:s22], s20  }
0x9f: {  	s3 =	ssub.s32 $0x0, s20;
	[sflag:s22] =	ssyncset.done $0x0  }
0xa0: {  	[sflag:s22] =	ssyncadd.s32 s3;
	_ =	sdelay $0x1  }
0xa1: {  	s23 =	simm.s32 $0x1B8B  }
0xa2: {  	_ =	swait.ge [sflag:s23], $0x1  }
0xa3: {  	[sflag:s23] =	ssyncset.done $0x0  }
0xa4: {  	s25 =	simm.s32 $0x1B8E;
	s24 =	sld [smem:$0x3FFE];
	[sflag:s23] =	ssyncadd.s32 $0xFFFFFFFF  }
0xa5: {  	s26 =	simm.s32 $execute0_lowered;
	[smem:$0x3FD2] =	sst s25  }
0xa6: {  	s4 =	sshll.u32 s26, $0x1;
	_ =	strace $0x80000049;
	[dreg:$0x1] =	wrdreg $0xFFFFFFFF  }
0xa7: {  	s28 =	simm.s32 $_size_execute0_lowered;
	s2 =	sadd.s32 s2, s4;
	[dreg:$0x0] =	wrdreg $0x0  }
0xa8: {  	s4 =	sshll.u32 s28, $0x1;
	[dreg:$0x2] =	wrdreg s2  }
0xa9: {  	[dreg:$0x3] =	wrdreg s4  }
0xaa: {  	[dreg:$0x4] =	wrdreg $0xC0  }
0xab: {  	_ =	task [dreg:s6], $0x5FFFF  }
0xac: {  	[dreg:$0x1] =	wrdreg $0xFFFFFFFF  }
0xad: {  	[dreg:$0x0] =	wrdreg $0x60  }
0xae: {  	[dreg:$0x2] =	wrdreg s24  }
0xaf: {  	[dreg:$0x3] =	wrdreg $0x89800  }
0xb0: {  	[dreg:$0x4] =	wrdreg $0x9  }
0xb1: {  	_ =	task.clear_ibuf [dreg:s6], $0x5FFFF;
	_ =	strace $0x90000049  }
0xb2: {  	s29 =	simm.s32 $0x9;
	_ =	strace $0x8000004B  }
0xb3: {  	_ =	swait.ge [sflag:s29], $0x1  }
0xb4: {  	[sflag:s29] =	ssyncadd.s32 $0xFFFFFFFF  }
0xb5: {  	_ =	strace $0x9000004B  }
0xb6: {  	_ =	sfence  }
0xb7: {  	s30 =	sld [smem:$0x0];
	_ =	sdelay $0x2  }
0xb8: {  	s31 =	sshll.u32 s1, $0xD;
	s1 =	sshrl.u32 s1, $0x2  }
0xb9: {  	s3 =	sand.u32 $0x4000, s31;
	s1 =	sadd.s32 s1, s30  }
0xba: {  	s0 =	sor.u32 s3, s0;
	s1 =	sshll.u32 s1, $0x11  }
0xbb: {  	s0 =	sor.u32 s1, s0  }
0xbc: {  	s0 =	sadd.s32 $0x8F2B, s0  }
0xbd: {  	[sflag:s0] =	ssyncadd.remote.s32 $0x1  }
0xbe: {  	_ =	sfence.sel $0xFFFF  }
0xbf: {  	[dreg:$0x0] =	wrdreg $0xFFFFFFFF;
	(pc) =	sbr.abs _section_cstart, $3  }
0xc0: {  	[dreg:$0x1] =	wrdreg $0xFFFFFFFF  }
0xc1: {  	_ =	task.clear_ibuf [dreg:s6], $0x2FFFF;
	_ =	strace $0x9FFFFFFF  }
0xc2: {  	(tm) =	ssettm $0x7FFFFFFF  }
0xc3: {  	_ =	shalt  }
tec
execute0_lowered:
.L_overlay_start_1:
0x0: {  	(tag) =	ssettag $0x1  }
0x1: {  	s0 =	rddreg [dreg:$0x0]  }
0x2: {  	s1 =	rddreg [dreg:$0x1];
	s2 =	srdreg.scid  }
0x3: {  	s3 =	simm.s32 $0x0;
	s13 =	stileid.u32;
	s17 =	simm.s32 $0x32  }
0x4: {  	s18 =	simm.s32 $0x5780;
	s20 =	simm.s32 $0x6400;
	s21 =	simm.s32 $0x1  }
0x5: {  	s23 =	simm.s32 $0x7080;
	s28 =	simm.s32 $0x2C30;
	s29 =	simm.s32 $0x2  }
0x6: {  	s30 =	simm.s32 $0xE0;
	s31 =	simm.s32 $0x2C68;
	s2 =	sand.u32 $0x1, s2  }
0x7: {  	[smem:$0x7FF] =	sst s3;
	s8 =	smul.u32 $0x9C00, s13;
	s11 =	sadd.s32 $0x3EA00, s0  }
0x8: {  	s16 =	sadd.s32 $0x9C000, s1;
	p0 =	sne.s32 s13, $0xF;
	s26 =	sshll.u32 s13, $0x6  }
0x9: {  	s4 =	sshll.u32 s2, $0x4;
	_ =	strace $0x8000004A;
	s7 =	ssub.s32 $0x2, s2  }
0xa: {  	s2 =	smul.u32 $0x9C400, s2;
	s14 =	sor.u32 $0x1C03, s26;
	s16 =	sshrl.u32 @!p0 s16, $0x3  }
0xb: {  	s26 =	simm.s32 $0x7D00;
	s4 =	sor.u32 s13, s4;
	s6 =	sshrl.u32 s8, $0x3  }
0xc: {  	s24 =	sshrl.u32 s7, $0x1;
	s15 =	sadd.s32 s8, s1;
	s13 =	simm.s32 $0x2BC0  }
0xd: {  	s5 =	smul.u32 $0x578, s4;
	s4 =	sadd.s32 $0x17600, s0;
	s10 =	sadd.s32 s6, s0  }
0xe: {  	s12 =	ssub.s32 s7, s24;
	s8 =	sadd.s32 s8, s2;
	s2 =	sshrl.u32 s2, $0x3  }
.Ltmp0:
0xf: {  	s15 =	sshrl.u32 s15, $0x3;
	s7 =	sadd.s32 $0x2B000, s10;
	(pc) =	sbr.rel .LBB2_1-.Ltmp0, $4  }
0x10: {  	s25 =	sshrl.u32 s8, $0x3;
	s2 =	sadd.s32 s11, s2;
	s8 =	sadd.s32 $0x3E800, s0  }
0x11: {  	s9 =	sadd.s32 s5, s0;
	s10 =	sadd.s32 $0x13800, s2;
	s0 =	simm.s32 $0x118  }
0x12: {  	s2 =	simm.s32 $0x0;
	s5 =	sadd.s32 $0xC600, s9;
	s6 =	sadd.s32 $0x1600, s9  }
0x13: {  	s9 =	sadd.s32 s11, s25;
	s11 =	smax.u32 s12, $0x1;
	s12 =	simm.s32 $0x3  }
.LBB2_4:
0x14: {  	_ =	swait.ge [sflag:s21], $0xC80  }
0x15: {  	[sflag:s21] =	ssyncset.done $0x0  }
0x16: {  	[sflag:s21] =	ssyncadd.s32 $0xFFFFF380  }
0x17: {  	[spmem:s1] =	stream.indirect.scatter.add.f32 [tilespmem:s26], [sflag:$0x2], $0x40, s24, s17, $0xb8;
	[tilespmem:$0x125C0] =	vst v63  }
0x18: {  	_ =	swait.ge [sflag:s29], $0xC80  }
0x19: {  	[sflag:s29] =	ssyncset.done $0x0  }
0x1a: {  	[sflag:s29] =	ssyncadd.s32 $0xFFFFF380  }
0x1b: {  	_ =	swait.ge [sflag:s29], $0xC80  }
0x1c: {  	[sflag:s29] =	ssyncset.done $0x0  }
0x1d: {  	[sflag:s29] =	ssyncadd.s32 $0xFFFFF380  }
0x1e: {  	_ =	swait.ge [sflag:s29], $0xC80  }
0x1f: {  	[sflag:s29] =	ssyncset.done $0x0  }
0x20: {  	[sflag:s29] =	ssyncadd.s32 $0xFFFFF380  }
0x21: {  	[bflag:$0x0] =	sbarrier.arrive $0xFFFF  }
0x22: {  	[hbm:s9], [sflag:s14] =	dma.local [spmem:s15], $0x1380  }
0x23: {  	s2 =	sadd.s32 $0x1, s2;
	_ =	swait.ge [sflag:s12], $0x1380  }
0x24: {  	p1 =	sne.s32 s2, s11;
	[sflag:s12] =	ssyncset.done $0x0  }
.Ltmp1:
0x25: {  	s19 =	simm.s32 @!p0 $0x3;
	[sflag:s12] =	ssyncadd.s32 $0xFFFFEC80;
	(pc) =	sbr.rel @!p1 .LBB2_5-.Ltmp1, $4  }
0x26: {  	[hbm:s10], [sflag:s14] =	dma.local @!p0 [spmem:s16], $0x80  }
0x27: {  	_ =	swait.ge @!p0 [sflag:s19], $0x80  }
0x28: {  	[sflag:s19] =	ssyncset.done @!p0 $0x0  }
0x29: {  	[sflag:s19] =	ssyncadd.s32 @!p0 $0xFFFFFF80  }
.LBB2_1:
0x2a: {  	[tilespmem:s3], [sflag:$0x3] =	stream.linear.gather [hbm4b:s5+s3], $0x2BC0, $0x38;
	[tilespmem:$0x125C0] =	vst v63  }
0x2b: {  	_ =	swait.ge [sflag:s12], $0x2BC0  }
0x2c: {  	[sflag:s12] =	ssyncset.done $0x0  }
0x2d: {  	[sflag:s12] =	ssyncadd.s32 $0xFFFFD440  }
0x2e: {  	[tilespmem:s13], [sflag:$0x3] =	stream.linear.gather [hbm4b:s6+s3], $0x2BC0, $0x38;
	[tilespmem:$0x125C0] =	vst v63  }
0x2f: {  	_ =	swait.ge [sflag:s12], $0x2BC0  }
0x30: {  	[sflag:s12] =	ssyncset.done $0x0  }
0x31: {  	[sflag:s12] =	ssyncadd.s32 $0xFFFFD440  }
0x32: {  	[spmem:s15], [sflag:s14] =	dma.local [hbm:s7], $0x1380  }
0x33: {  	_ =	swait.ge [sflag:s12], $0x1380  }
0x34: {  	[sflag:s12] =	ssyncset.done $0x0  }
0x35: {  	s19 =	simm.s32 @!p0 $0x3;
	[sflag:s12] =	ssyncadd.s32 $0xFFFFEC80  }
0x36: {  	[spmem:s16], [sflag:s14] =	dma.local @!p0 [hbm:s8], $0x80  }
0x37: {  	_ =	swait.ge @!p0 [sflag:s19], $0x80  }
0x38: {  	[sflag:s19] =	ssyncset.done @!p0 $0x0  }
0x39: {  	[sflag:s19] =	ssyncadd.s32 @!p0 $0xFFFFFF80  }
0x3a: {  	[bflag:$0x0] =	sbarrier.arrive $0xFFFF  }
0x3b: {  	[tilespmem:s18], [sflag:$0x1] =	stream.indirect.gather [hbm4b:s4+s17], $0x40, s3, s17, $0xb8;
	[tilespmem:$0x125C0] =	vst v63  }
0x3c: {  	s25 =	simm.s32 $0x38  }
0x3d: {  	[tilespmem:s20], [sflag:$0x1] =	stream.indirect.gather [hbm4b:s4+s17], $0x40, s25, s17, $0xb8;
	[tilespmem:$0x125C0] =	vst v63  }
0x3e: {  	_ =	swait.ge [sflag:s21], $0xC80  }
0x3f: {  	[sflag:s21] =	ssyncset.done $0x0  }
0x40: {  	[sflag:s21] =	ssyncadd.s32 $0xFFFFF380  }
0x41: {  	[spmem:s1] =	stream.indirect.scatter.add.f32 [tilespmem:s18], [sflag:$0x2], $0x40, s13, s17, $0xb8;
	[tilespmem:$0x125C0] =	vst v63  }
0x42: {  	s22 =	simm.s32 $0x70  }
0x43: {  	[tilespmem:s23], [sflag:$0x1] =	stream.indirect.gather [hbm4b:s4+s17], $0x40, s22, s17, $0xb8;
	[tilespmem:$0x125C0] =	vst v63  }
0x44: {  	_ =	swait.ge [sflag:s21], $0xC80  }
0x45: {  	[sflag:s21] =	ssyncset.done $0x0  }
0x46: {  	s24 =	simm.s32 $0x2BF8;
	[sflag:s21] =	ssyncadd.s32 $0xFFFFF380  }
0x47: {  	[spmem:s1] =	stream.indirect.scatter.add.f32 [tilespmem:s20], [sflag:$0x2], $0x40, s24, s17, $0xb8;
	[tilespmem:$0x125C0] =	vst v63  }
0x48: {  	s25 =	simm.s32 $0xA8  }
0x49: {  	[tilespmem:s26], [sflag:$0x1] =	stream.indirect.gather [hbm4b:s4+s17], $0x40, s25, s17, $0xb8;
	[tilespmem:$0x125C0] =	vst v63  }
0x4a: {  	_ =	swait.ge [sflag:s21], $0xC80  }
0x4b: {  	[sflag:s21] =	ssyncset.done $0x0  }
0x4c: {  	[sflag:s21] =	ssyncadd.s32 $0xFFFFF380  }
0x4d: {  	[spmem:s1] =	stream.indirect.scatter.add.f32 [tilespmem:s23], [sflag:$0x2], $0x40, s28, s17, $0xb8;
	[tilespmem:$0x125C0] =	vst v63  }
0x4e: {  	_ =	swait.ge [sflag:s29], $0xC80  }
0x4f: {  	[sflag:s29] =	ssyncset.done $0x0  }
0x50: {  	[sflag:s29] =	ssyncadd.s32 $0xFFFFF380  }
0x51: {  	[tilespmem:s18], [sflag:$0x1] =	stream.indirect.gather [hbm4b:s4+s17], $0x40, s30, s17, $0xb8;
	[tilespmem:$0x125C0] =	vst v63  }
0x52: {  	_ =	swait.ge [sflag:s21], $0xC80  }
0x53: {  	[sflag:s21] =	ssyncset.done $0x0  }
0x54: {  	[sflag:s21] =	ssyncadd.s32 $0xFFFFF380  }
0x55: {  	[spmem:s1] =	stream.indirect.scatter.add.f32 [tilespmem:s26], [sflag:$0x2], $0x40, s31, s17, $0xb8;
	[tilespmem:$0x125C0] =	vst v63  }
0x56: {  	_ =	swait.ge [sflag:s29], $0xC80  }
0x57: {  	[sflag:s29] =	ssyncset.done $0x0  }
0x58: {  	s19 =	simm.s32 $0x0;
	[sflag:s29] =	ssyncadd.s32 $0xFFFFF380  }
0x59: {  	[tilespmem:s20], [sflag:$0x1] =	stream.indirect.gather [hbm4b:s4+s17], $0x40, s0, s17, $0xb8;
	[tilespmem:$0x125C0] =	vst v63  }
.LBB2_2:
0x5a: {  	_ =	swait.ge [sflag:s21], $0xC80  }
0x5b: {  	s22 =	sshra.s32 s19, $0x2;
	[sflag:s21] =	ssyncset.done $0x0  }
0x5c: {  	s24 =	sadd.s32 $0x2CA0, s22;
	[sflag:s21] =	ssyncadd.s32 $0xFFFFF380  }
0x5d: {  	[spmem:s1] =	stream.indirect.scatter.add.f32 [tilespmem:s18], [sflag:$0x2], $0x40, s24, s17, $0xb8;
	[tilespmem:$0x125C0] =	vst v63  }
0x5e: {  	_ =	swait.ge [sflag:s29], $0xC80  }
0x5f: {  	[sflag:s29] =	ssyncset.done $0x0  }
0x60: {  	s25 =	sadd.s32 $0x150, s22;
	[sflag:s29] =	ssyncadd.s32 $0xFFFFF380  }
0x61: {  	[tilespmem:s23], [sflag:$0x1] =	stream.indirect.gather [hbm4b:s4+s17], $0x40, s25, s17, $0xb8;
	[tilespmem:$0x125C0] =	vst v63  }
0x62: {  	_ =	swait.ge [sflag:s21], $0xC80  }
0x63: {  	[sflag:s21] =	ssyncset.done $0x0  }
0x64: {  	s25 =	sadd.s32 $0x2CD8, s22;
	[sflag:s21] =	ssyncadd.s32 $0xFFFFF380  }
0x65: {  	[spmem:s1] =	stream.indirect.scatter.add.f32 [tilespmem:s20], [sflag:$0x2], $0x40, s25, s17, $0xb8;
	[tilespmem:$0x125C0] =	vst v63  }
0x66: {  	_ =	swait.ge [sflag:s29], $0xC80  }
0x67: {  	[sflag:s29] =	ssyncset.done $0x0  }
0x68: {  	s25 =	sadd.s32 $0x188, s22;
	[sflag:s29] =	ssyncadd.s32 $0xFFFFF380  }
0x69: {  	[tilespmem:s26], [sflag:$0x1] =	stream.indirect.gather [hbm4b:s4+s17], $0x40, s25, s17, $0xb8;
	[tilespmem:$0x125C0] =	vst v63  }
0x6a: {  	_ =	swait.ge [sflag:s21], $0xC80  }
0x6b: {  	p1 =	seq.s32 s19, $0xA800;
	[sflag:s21] =	ssyncset.done $0x0  }
.Ltmp2:
0x6c: {  	s25 =	sadd.s32 $0x2D10, s22;
	[sflag:s21] =	ssyncadd.s32 $0xFFFFF380;
	(pc) =	sbr.rel @p1 .LBB2_4-.Ltmp2, $4  }
0x6d: {  	[spmem:s1] =	stream.indirect.scatter.add.f32 [tilespmem:s23], [sflag:$0x2], $0x40, s25, s17, $0xb8;
	[tilespmem:$0x125C0] =	vst v63  }
0x6e: {  	_ =	swait.ge [sflag:s29], $0xC80  }
0x6f: {  	[sflag:s29] =	ssyncset.done $0x0  }
0x70: {  	s24 =	sadd.s32 $0x2D48, s22;
	[sflag:s29] =	ssyncadd.s32 $0xFFFFF380  }
0x71: {  	s25 =	sadd.s32 $0x1C0, s22  }
0x72: {  	[tilespmem:s18], [sflag:$0x1] =	stream.indirect.gather [hbm4b:s4+s17], $0x40, s25, s17, $0xb8;
	[tilespmem:$0x125C0] =	vst v63  }
0x73: {  	_ =	swait.ge [sflag:s21], $0xC80  }
0x74: {  	[sflag:s21] =	ssyncset.done $0x0  }
0x75: {  	[sflag:s21] =	ssyncadd.s32 $0xFFFFF380  }
0x76: {  	[spmem:s1] =	stream.indirect.scatter.add.f32 [tilespmem:s26], [sflag:$0x2], $0x40, s24, s17, $0xb8;
	[tilespmem:$0x125C0] =	vst v63  }
.Ltmp3:
0x77: {  	_ = 	snop;
	(pc) =	sbr.rel .LBB2_2-.Ltmp3, $4  }
0x78: {  	_ =	swait.ge [sflag:s29], $0xC80  }
0x79: {  	[sflag:s29] =	ssyncset.done $0x0  }
0x7a: {  	s19 =	sadd.s32 $0x380, s19;
	s25 =	sadd.s32 $0x1F8, s22;
	[sflag:s29] =	ssyncadd.s32 $0xFFFFF380  }
0x7b: {  	[tilespmem:s20], [sflag:$0x1] =	stream.indirect.gather [hbm4b:s4+s17], $0x40, s25, s17, $0xb8;
	[tilespmem:$0x125C0] =	vst v63  }
.LBB2_5:
0x7c: {  	_ =	sfence.sel $0x180000  }
0x7d: {  	[bflag:$0x0] =	sbarrier.arrive $0xFFFF  }
0x7e: {  	_ =	strace $0x9000004A  }
0x7f: {  	s0 =	stileid.u32;
	[bflag:$0x2] =	sbarrier.arrive $0xFFFF  }
0x80: {  	p0 =	sne.s32 s0, $0x0;
	s0 =	rddreg [dreg:$0x2]  }
0x81: {  	s0 =	sadd.s32 @!p0 $0x100000, s0  }
0x82: {  	[sflag:s0] =	ssyncadd.tile.s32 @!p0 $0x1;
	_ =	shalt  }
.Lfunc_end2:
_tile_overlayer_lowered:
.L_overlay_start_2:
0x83: {  	(tag) =	ssettag $0x2  }
0x84: {  	s0 =	rddreg [dreg:$0x0];
	s2 =	stileid.u32  }
0x85: {  	s1 =	rddreg [dreg:$0x1];
	p0 =	sne.s32 s2, $0x0  }
0x86: {  	s3 =	rddreg [dreg:$0x2];
	[bflag:$0x3] =	sbarrier.arrive $0xFFFF;
	s2 =	simm.s32 @!p0 $0x1C03  }
0x87: {  	[timem:s3], [sflag:s2] =	dma.local @!p0 [hbm:s0], s1  }
0x88: {  	s0 =	simm.s32 @!p0 $0x3  }
0x89: {  	_ =	swait.ge @!p0 [sflag:s0], s1  }
0x8a: {  	s1 =	ssub.s32 @!p0 $0x0, s1;
	[sflag:s0] =	ssyncset.done @!p0 $0x0  }
0x8b: {  	[sflag:s0] =	ssyncadd.s32 @!p0 s1  }
0x8c: {  	[bflag:$0x3] =	sbarrier.arrive $0xFFFF  }
0x8d: {  	_ =	shalt  }

// kernel: kernel.7.cloned.1.call-start
scs
__scs_entry_jumppad:
0x0: {  	(pc) =	sbr.rel $0x88, $3  }
0x1: {  	(tag) =	ssettag $0x0;
	lr =	simm.s32 $0x1  }
0x2: {  	[smem:$0x3F9A] =	sst lr;
	_ =	strace $0xD0000000  }
0x3: {  	_ = 	snop  }
0x4: {  	_ = 	snop  }
0x5: {  	_ = 	snop  }
0x6: {  	_ = 	snop  }
0x7: {  	_ = 	snop  }
__scs_overlays_trampoline_lowered:
0x8: {  	[smem:$0x3FA9] =	sst s0  }
0x9: {  	[smem:$0x3FAA] =	sst s1  }
0xa: {  	[smem:$0x3FAB] =	sst s2  }
0xb: {  	[smem:$0x3FAC] =	sst s3  }
0xc: {  	[smem:$0x3FAD] =	sst s4  }
0xd: {  	[smem:$0x3FAE] =	sst s5  }
0xe: {  	[smem:$0x3FAF] =	sst s6  }
0xf: {  	[smem:$0x3FB0] =	sst s7  }
0x10: {  	[smem:$0x3FB1] =	sst s8  }
0x11: {  	[smem:$0x3FB2] =	sst s9;
	s0 =	simm.s32 @!p0 $0x0  }
0x12: {  	s1 =	sld [smem:$0x3F98];
	s0 =	simm.s32 @p0 $0x1  }
0x13: {  	[smem:$0x3FB3] =	sst s0;
	s0 =	simm.s32 @!p1 $0x0  }
0x14: {  	s2 =	sld [smem:$0x3F97];
	s0 =	simm.s32 @p1 $0x1  }
0x15: {  	[smem:$0x3FB4] =	sst s0;
	s0 =	simm.s32 @!p2 $0x0  }
0x16: {  	s3 =	sld [smem:$0x3FDB];
	s0 =	simm.s32 @p2 $0x1  }
0x17: {  	s4 =	simm.s32 $0x1BF5;
	[smem:$0x3FB6] =	sst s0  }
0x18: {  	s0 =	sld [smem:$0x3F99];
	_ =	swait.ge [sflag:s4], $0x0  }
0x19: {  	s7 =	sld [smem:$0x3F9A]  }
0x1a: {  	s8 =	sadd.s32 $0xFFFFE003, lr  }
0x1b: {  	s9 =	sadd.s32 $0xFFFFFEF7, lr;
	s5 =	simm.s32 $0xFFFFFFFF;
	p2 =	slt.u32 s8, $0xFFFFF086  }
0x1c: {  	p1 =	slt.u32 s9, $0xF7A;
	s5 =	simm.s32 @!p2 $0x0  }
0x1d: {  	s5 =	simm.s32 @p1 $0x1;
	p0 =	seq.s32 s7, s2  }
0x1e: {  	s7 =	smul.u32 @!p0 $0xF7A, s2;
	p2 =	seq.s32 @!p0 s5, $0x0  }
0x1f: {  	s9 =	smul.u32 $0xF7A, s1;
	s8 =	simm.s32 @!p0 $0x1BF5;
	p2 =	por !p2, p0  }
0x20: {  	[sflag:s8] =	ssyncset.s32 @!p0 $0xFFFFF086;
	s6 =	sadd.s32 @!p0 s3, s7;
	s7 =	simm.s32 @!p0 $0x108  }
0x21: {  	s3 =	sadd.s32 s3, s9;
	s6 =	sadd.s32 @!p0 $0x88, s6;
	s7 =	simm.s32 @p2 $0x1082  }
0x22: {  	[simem:s7], [sflag:s8] =	dma.local @!p0 [hbm:s6], $0xF7A  }
0x23: {  	s9 =	sor.u32 $0xD0000000, s2;
	s6 =	simm.s32 $0x108;
	_ =	swait.ge @!p0 [sflag:s8], $0x0  }
0x24: {  	s3 =	sadd.s32 $0x88, s3;
	s6 =	simm.s32 @!p1 $0x1082;
	[sflag:s4] =	ssyncset.s32 $0xFFFFF086  }
0x25: {  	[simem:s6], [sflag:s4] =	dma.local [hbm:s3], $0xF7A  }
0x26: {  	[smem:$0x3F9A] =	sst s1;
	(tag) =	ssettag s2;
	_ =	strace s9  }
0x27: {  	s1 =	sld [smem:$0x3FAA]  }
0x28: {  	s2 =	sld [smem:$0x3FAB]  }
0x29: {  	s4 =	sld [smem:$0x3FAD]  }
0x2a: {  	p0 =	seq.s32 s5, $0x0;
	s5 =	sld [smem:$0x3FAE]  }
0x2b: {  	s6 =	sld [smem:$0x3FAF]  }
0x2c: {  	s7 =	sld [smem:$0x3FB0]  }
0x2d: {  	s3 =	simm.s32 $0x108;
	s8 =	sld [smem:$0x3FB1]  }
0x2e: {  	s3 =	simm.s32 @!p0 $0x1082;
	s9 =	sld [smem:$0x3FB2]  }
0x2f: {  	lr =	sadd.s32 s0, s3;
	s0 =	sld [smem:$0x3FA9]  }
0x30: {  	s3 =	sld [smem:$0x3FAC]  }
0x31: {  	[smem:$0x3FB5] =	sst s10  }
0x32: {  	s10 =	sld [smem:$0x3FB3];
	_ =	sdelay $0x3  }
0x33: {  	p0 =	seq.s32 s10, $0x1;
	s10 =	sld [smem:$0x3FB5];
	_ =	sdelay $0x3  }
0x34: {  	[smem:$0x3FB5] =	sst s10  }
0x35: {  	s10 =	sld [smem:$0x3FB4];
	_ =	sdelay $0x3  }
0x36: {  	p1 =	seq.s32 s10, $0x1;
	s10 =	sld [smem:$0x3FB5];
	_ =	sdelay $0x3  }
0x37: {  	[smem:$0x3FB5] =	sst s10  }
0x38: {  	s10 =	sld [smem:$0x3FB6]  }
0x39: {  	_ = 	snop;
	(pc) =	sbr.ind lr, $3  }
0x3a: {  	_ = 	snop  }
0x3b: {  	_ = 	snop  }
0x3c: {  	p2 =	seq.s32 s10, $0x1;
	s10 =	sld [smem:$0x3FB5]  }
0x3d: {  	_ =	shalt  }
0x3e: {  	_ =	shalt  }
0x3f: {  	_ =	shalt  }
0x40: {  	_ =	shalt  }
0x41: {  	_ =	shalt  }
0x42: {  	_ =	shalt  }
0x43: {  	_ =	shalt  }
0x44: {  	_ =	shalt  }
0x45: {  	_ =	shalt  }
0x46: {  	_ =	shalt  }
0x47: {  	_ =	shalt  }
0x48: {  	_ =	shalt  }
0x49: {  	_ =	shalt  }
0x4a: {  	_ =	shalt  }
0x4b: {  	_ =	shalt  }
0x4c: {  	_ =	shalt  }
0x4d: {  	_ =	shalt  }
0x4e: {  	_ =	shalt  }
0x4f: {  	_ =	shalt  }
0x50: {  	_ =	shalt  }
0x51: {  	_ =	shalt  }
0x52: {  	_ =	shalt  }
0x53: {  	_ =	shalt  }
0x54: {  	_ =	shalt  }
0x55: {  	_ =	shalt  }
0x56: {  	_ =	shalt  }
0x57: {  	_ =	shalt  }
0x58: {  	_ =	shalt  }
0x59: {  	_ =	shalt  }
0x5a: {  	_ =	shalt  }
0x5b: {  	_ =	shalt  }
0x5c: {  	_ =	shalt  }
0x5d: {  	_ =	shalt  }
0x5e: {  	_ =	shalt  }
0x5f: {  	_ =	shalt  }
0x60: {  	_ =	shalt  }
0x61: {  	_ =	shalt  }
0x62: {  	_ =	shalt  }
0x63: {  	_ =	shalt  }
0x64: {  	_ =	shalt  }
0x65: {  	_ =	shalt  }
0x66: {  	_ =	shalt  }
0x67: {  	_ =	shalt  }
0x68: {  	_ =	shalt  }
0x69: {  	_ =	shalt  }
0x6a: {  	_ =	shalt  }
0x6b: {  	_ =	shalt  }
0x6c: {  	_ =	shalt  }
0x6d: {  	_ =	shalt  }
0x6e: {  	_ =	shalt  }
0x6f: {  	_ =	shalt  }
0x70: {  	_ =	shalt  }
0x71: {  	_ =	shalt  }
0x72: {  	_ =	shalt  }
0x73: {  	_ =	shalt  }
0x74: {  	_ =	shalt  }
0x75: {  	_ =	shalt  }
0x76: {  	_ =	shalt  }
0x77: {  	_ =	shalt  }
0x78: {  	_ =	shalt  }
0x79: {  	_ =	shalt  }
0x7a: {  	_ =	shalt  }
0x7b: {  	_ =	shalt  }
0x7c: {  	_ =	shalt  }
0x7d: {  	_ =	shalt  }
0x7e: {  	_ =	shalt  }
0x7f: {  	_ =	shalt  }
0x80: {  	_ =	shalt  }
0x81: {  	_ =	shalt  }
0x82: {  	_ =	shalt  }
0x83: {  	_ =	shalt  }
0x84: {  	_ =	shalt  }
0x85: {  	_ =	shalt  }
0x86: {  	_ =	shalt  }
0x87: {  	_ =	shalt  }
.Lfunc_end0:
.L_simem_size_0:
called_computation_lowered:
.L_overlay_start_0:
0x88: {  	s2 =	sld [smem:$0x3FD9]  }
0x89: {  	s3 =	sld [smem:$0x3FFE];
	_ =	sdelay $0x1  }
0x8a: {  	s1 =	srdreg.scid  }
0x8b: {  	s0 =	sand.u32 $0x1, s1  }
0x8c: {  	s16 =	sshll.u32 s0, $0xA;
	s2 =	sadd.s32 s3, s2  }
0x8d: {  	s2 =	sadd.s32 s2, s16  }
0x8e: {  	[smem:$0x3FC1] =	sst s2  }
0x8f: {  	_ = 	snop  }
0x90: {  	(tm) =	ssettm $0x1  }
0x91: {  	s17 =	sld [smem:$0x3FFB];
	_ =	sdelay $0x3  }
0x92: {  	_ =	strace s17  }
0x93: {  	s2 =	sld [smem:$0x3FFC];
	_ =	sdelay $0x3  }
0x94: {  	_ =	strace s2  }
0x95: {  	s2 =	sld [smem:$0x3FFD];
	_ =	sdelay $0x3  }
0x96: {  	_ =	strace s2  }
0x97: {  	_ =	strace $0x8FFFFFFF  }
0x98: {  	s18 =	sld [smem:$0x3FDB];
	_ =	sdelay $0x1  }
0x99: {  	s19 =	simm.s32 $_scs_section_size  }
0x9a: {  	s4 =	simm.s32 $_size__tile_overlayer_lowered;
	s5 =	simm.s32 $_tile_overlayer_lowered  }
0x9b: {  	s22 =	simm.s32 $0x1BFF;
	s21 =	sshll.u32 s5, $0x1;
	s2 =	sadd.s32 s19, s18  }
0x9c: {  	s6 =	simm.s32 $0x0;
	s20 =	sshll.u32 s4, $0x1;
	s4 =	sadd.s32 s21, s2  }
0x9d: {  	[timem:s6], [sflag:s22] =	dma.local [hbm:s4], s20  }
0x9e: {  	_ =	swait.ge [sflag:s22], s20  }
0x9f: {  	s3 =	ssub.s32 $0x0, s20;
	[sflag:s22] =	ssyncset.done $0x0  }
0xa0: {  	[sflag:s22] =	ssyncadd.s32 s3;
	_ =	sdelay $0x1  }
0xa1: {  	s23 =	simm.s32 $0x1B8B  }
0xa2: {  	_ =	swait.ge [sflag:s23], $0x1  }
0xa3: {  	[sflag:s23] =	ssyncset.done $0x0  }
0xa4: {  	s25 =	simm.s32 $0x1B8E;
	s24 =	sld [smem:$0x3FFE];
	[sflag:s23] =	ssyncadd.s32 $0xFFFFFFFF  }
0xa5: {  	s26 =	simm.s32 $execute0_lowered;
	[smem:$0x3FD2] =	sst s25  }
0xa6: {  	s4 =	sshll.u32 s26, $0x1;
	_ =	strace $0x80000046;
	[dreg:$0x1] =	wrdreg $0xFFFFFFFF  }
0xa7: {  	s28 =	simm.s32 $_size_execute0_lowered;
	s2 =	sadd.s32 s2, s4;
	[dreg:$0x0] =	wrdreg $0x0  }
0xa8: {  	s4 =	sshll.u32 s28, $0x1;
	[dreg:$0x2] =	wrdreg s2  }
0xa9: {  	[dreg:$0x3] =	wrdreg s4  }
0xaa: {  	[dreg:$0x4] =	wrdreg $0xC0  }
0xab: {  	_ =	task [dreg:s6], $0x5FFFF  }
0xac: {  	[dreg:$0x1] =	wrdreg $0xFFFFFFFF  }
0xad: {  	[dreg:$0x0] =	wrdreg $0x60  }
0xae: {  	[dreg:$0x2] =	wrdreg s24  }
0xaf: {  	[dreg:$0x3] =	wrdreg $0xBB800  }
0xb0: {  	[dreg:$0x4] =	wrdreg $0x9  }
0xb1: {  	_ =	task.clear_ibuf [dreg:s6], $0x5FFFF;
	_ =	strace $0x90000046  }
0xb2: {  	s29 =	simm.s32 $0x9;
	_ =	strace $0x80000048  }
0xb3: {  	_ =	swait.ge [sflag:s29], $0x1  }
0xb4: {  	[sflag:s29] =	ssyncadd.s32 $0xFFFFFFFF  }
0xb5: {  	_ =	strace $0x90000048  }
0xb6: {  	_ =	sfence  }
0xb7: {  	s30 =	sld [smem:$0x0];
	_ =	sdelay $0x2  }
0xb8: {  	s31 =	sshll.u32 s1, $0xD;
	s1 =	sshrl.u32 s1, $0x2  }
0xb9: {  	s3 =	sand.u32 $0x4000, s31;
	s1 =	sadd.s32 s1, s30  }
0xba: {  	s0 =	sor.u32 s3, s0;
	s1 =	sshll.u32 s1, $0x11  }
0xbb: {  	s0 =	sor.u32 s1, s0  }
0xbc: {  	s0 =	sadd.s32 $0x8F2B, s0  }
0xbd: {  	[sflag:s0] =	ssyncadd.remote.s32 $0x1  }
0xbe: {  	_ =	sfence.sel $0xFFFF  }
0xbf: {  	[dreg:$0x0] =	wrdreg $0xFFFFFFFF;
	(pc) =	sbr.abs _section_cstart, $3  }
0xc0: {  	[dreg:$0x1] =	wrdreg $0xFFFFFFFF  }
0xc1: {  	_ =	task.clear_ibuf [dreg:s6], $0x2FFFF;
	_ =	strace $0x9FFFFFFF  }
0xc2: {  	(tm) =	ssettm $0x7FFFFFFF  }
0xc3: {  	_ =	shalt  }
tec
execute0_lowered:
.L_overlay_start_1:
0x0: {  	(tag) =	ssettag $0x1  }
0x1: {  	s0 =	rddreg [dreg:$0x0]  }
0x2: {  	s1 =	rddreg [dreg:$0x1];
	s2 =	srdreg.scid  }
0x3: {  	s3 =	simm.s32 $0x0;
	s13 =	stileid.u32;
	s17 =	simm.s32 $0x32  }
0x4: {  	s18 =	simm.s32 $0x5780;
	s20 =	simm.s32 $0x7080;
	s21 =	simm.s32 $0x1  }
0x5: {  	s23 =	simm.s32 $0x8980;
	s28 =	simm.s32 $0x2C30;
	s29 =	simm.s32 $0x2  }
0x6: {  	s30 =	simm.s32 $0xE0;
	s31 =	simm.s32 $0x2C68;
	s2 =	sand.u32 $0x1, s2  }
0x7: {  	[smem:$0x7FF] =	sst s3;
	s8 =	smul.u32 $0x13800, s13;
	s11 =	sadd.s32 $0x65A00, s0  }
0x8: {  	s16 =	sadd.s32 $0x138000, s1;
	p0 =	sne.s32 s13, $0xF;
	s26 =	sshll.u32 s13, $0x6  }
0x9: {  	s4 =	sshll.u32 s2, $0x4;
	_ =	strace $0x80000047;
	s7 =	ssub.s32 $0x2, s2  }
0xa: {  	s2 =	smul.u32 $0x138800, s2;
	s14 =	sor.u32 $0x1C03, s26;
	s16 =	sshrl.u32 @!p0 s16, $0x3  }
0xb: {  	s26 =	simm.s32 $0xA280;
	s4 =	sor.u32 s13, s4;
	s6 =	sshrl.u32 s8, $0x3  }
0xc: {  	s24 =	sshrl.u32 s7, $0x1;
	s15 =	sadd.s32 s8, s1;
	s13 =	simm.s32 $0x2BC0  }
0xd: {  	s5 =	smul.u32 $0x578, s4;
	s4 =	sadd.s32 $0x17600, s0;
	s10 =	sadd.s32 s6, s0  }
0xe: {  	s12 =	ssub.s32 s7, s24;
	s8 =	sadd.s32 s8, s2;
	s2 =	sshrl.u32 s2, $0x3  }
.Ltmp0:
0xf: {  	s15 =	sshrl.u32 s15, $0x3;
	s7 =	sadd.s32 $0x3E800, s10;
	(pc) =	sbr.rel .LBB2_1-.Ltmp0, $4  }
0x10: {  	s25 =	sshrl.u32 s8, $0x3;
	s2 =	sadd.s32 s11, s2;
	s8 =	sadd.s32 $0x65800, s0  }
0x11: {  	s9 =	sadd.s32 s5, s0;
	s10 =	sadd.s32 $0x27000, s2;
	s0 =	simm.s32 $0x118  }
0x12: {  	s2 =	simm.s32 $0x0;
	s5 =	sadd.s32 $0xC600, s9;
	s6 =	sadd.s32 $0x1600, s9  }
0x13: {  	s9 =	sadd.s32 s11, s25;
	s11 =	smax.u32 s12, $0x1;
	s12 =	simm.s32 $0x3  }
.LBB2_4:
0x14: {  	_ =	swait.ge [sflag:s21], $0x1900  }
0x15: {  	[sflag:s21] =	ssyncset.done $0x0  }
0x16: {  	[sflag:s21] =	ssyncadd.s32 $0xFFFFE700  }
0x17: {  	[spmem:s1] =	stream.indirect.scatter.add.f32 [tilespmem:s26], [sflag:$0x2], $0x80, s24, s17, $0xb8;
	[tilespmem:$0x1F400] =	vst v63  }
0x18: {  	_ =	swait.ge [sflag:s29], $0x1900  }
0x19: {  	[sflag:s29] =	ssyncset.done $0x0  }
0x1a: {  	[sflag:s29] =	ssyncadd.s32 $0xFFFFE700  }
0x1b: {  	_ =	swait.ge [sflag:s29], $0x1900  }
0x1c: {  	[sflag:s29] =	ssyncset.done $0x0  }
0x1d: {  	[sflag:s29] =	ssyncadd.s32 $0xFFFFE700  }
0x1e: {  	_ =	swait.ge [sflag:s29], $0x1900  }
0x1f: {  	[sflag:s29] =	ssyncset.done $0x0  }
0x20: {  	[sflag:s29] =	ssyncadd.s32 $0xFFFFE700  }
0x21: {  	[bflag:$0x0] =	sbarrier.arrive $0xFFFF  }
0x22: {  	[hbm:s9], [sflag:s14] =	dma.local [spmem:s15], $0x2700  }
0x23: {  	s2 =	sadd.s32 $0x1, s2;
	_ =	swait.ge [sflag:s12], $0x2700  }
0x24: {  	p1 =	sne.s32 s2, s11;
	[sflag:s12] =	ssyncset.done $0x0  }
.Ltmp1:
0x25: {  	s19 =	simm.s32 @!p0 $0x3;
	[sflag:s12] =	ssyncadd.s32 $0xFFFFD900;
	(pc) =	sbr.rel @!p1 .LBB2_5-.Ltmp1, $4  }
0x26: {  	[hbm:s10], [sflag:s14] =	dma.local @!p0 [spmem:s16], $0x100  }
0x27: {  	_ =	swait.ge @!p0 [sflag:s19], $0x100  }
0x28: {  	[sflag:s19] =	ssyncset.done @!p0 $0x0  }
0x29: {  	[sflag:s19] =	ssyncadd.s32 @!p0 $0xFFFFFF00  }
.LBB2_1:
0x2a: {  	[tilespmem:s3], [sflag:$0x3] =	stream.linear.gather [hbm4b:s5+s3], $0x2BC0, $0x38;
	[tilespmem:$0x1F400] =	vst v63  }
0x2b: {  	_ =	swait.ge [sflag:s12], $0x2BC0  }
0x2c: {  	[sflag:s12] =	ssyncset.done $0x0  }
0x2d: {  	[sflag:s12] =	ssyncadd.s32 $0xFFFFD440  }
0x2e: {  	[tilespmem:s13], [sflag:$0x3] =	stream.linear.gather [hbm4b:s6+s3], $0x2BC0, $0x38;
	[tilespmem:$0x1F400] =	vst v63  }
0x2f: {  	_ =	swait.ge [sflag:s12], $0x2BC0  }
0x30: {  	[sflag:s12] =	ssyncset.done $0x0  }
0x31: {  	[sflag:s12] =	ssyncadd.s32 $0xFFFFD440  }
0x32: {  	[spmem:s15], [sflag:s14] =	dma.local [hbm:s7], $0x2700  }
0x33: {  	_ =	swait.ge [sflag:s12], $0x2700  }
0x34: {  	[sflag:s12] =	ssyncset.done $0x0  }
0x35: {  	s19 =	simm.s32 @!p0 $0x3;
	[sflag:s12] =	ssyncadd.s32 $0xFFFFD900  }
0x36: {  	[spmem:s16], [sflag:s14] =	dma.local @!p0 [hbm:s8], $0x100  }
0x37: {  	_ =	swait.ge @!p0 [sflag:s19], $0x100  }
0x38: {  	[sflag:s19] =	ssyncset.done @!p0 $0x0  }
0x39: {  	[sflag:s19] =	ssyncadd.s32 @!p0 $0xFFFFFF00  }
0x3a: {  	[bflag:$0x0] =	sbarrier.arrive $0xFFFF  }
0x3b: {  	[tilespmem:s18], [sflag:$0x1] =	stream.indirect.gather [hbm4b:s4+s17], $0x80, s3, s17, $0xb8;
	[tilespmem:$0x1F400] =	vst v63  }
0x3c: {  	s25 =	simm.s32 $0x38  }
0x3d: {  	[tilespmem:s20], [sflag:$0x1] =	stream.indirect.gather [hbm4b:s4+s17], $0x80, s25, s17, $0xb8;
	[tilespmem:$0x1F400] =	vst v63  }
0x3e: {  	_ =	swait.ge [sflag:s21], $0x1900  }
0x3f: {  	[sflag:s21] =	ssyncset.done $0x0  }
0x40: {  	[sflag:s21] =	ssyncadd.s32 $0xFFFFE700  }
0x41: {  	[spmem:s1] =	stream.indirect.scatter.add.f32 [tilespmem:s18], [sflag:$0x2], $0x80, s13, s17, $0xb8;
	[tilespmem:$0x1F400] =	vst v63  }
0x42: {  	s22 =	simm.s32 $0x70  }
0x43: {  	[tilespmem:s23], [sflag:$0x1] =	stream.indirect.gather [hbm4b:s4+s17], $0x80, s22, s17, $0xb8;
	[tilespmem:$0x1F400] =	vst v63  }
0x44: {  	_ =	swait.ge [sflag:s21], $0x1900  }
0x45: {  	[sflag:s21] =	ssyncset.done $0x0  }
0x46: {  	s24 =	simm.s32 $0x2BF8;
	[sflag:s21] =	ssyncadd.s32 $0xFFFFE700  }
0x47: {  	[spmem:s1] =	stream.indirect.scatter.add.f32 [tilespmem:s20], [sflag:$0x2], $0x80, s24, s17, $0xb8;
	[tilespmem:$0x1F400] =	vst v63  }
0x48: {  	s25 =	simm.s32 $0xA8  }
0x49: {  	[tilespmem:s26], [sflag:$0x1] =	stream.indirect.gather [hbm4b:s4+s17], $0x80, s25, s17, $0xb8;
	[tilespmem:$0x1F400] =	vst v63  }
0x4a: {  	_ =	swait.ge [sflag:s21], $0x1900  }
0x4b: {  	[sflag:s21] =	ssyncset.done $0x0  }
0x4c: {  	[sflag:s21] =	ssyncadd.s32 $0xFFFFE700  }
0x4d: {  	[spmem:s1] =	stream.indirect.scatter.add.f32 [tilespmem:s23], [sflag:$0x2], $0x80, s28, s17, $0xb8;
	[tilespmem:$0x1F400] =	vst v63  }
0x4e: {  	_ =	swait.ge [sflag:s29], $0x1900  }
0x4f: {  	[sflag:s29] =	ssyncset.done $0x0  }
0x50: {  	[sflag:s29] =	ssyncadd.s32 $0xFFFFE700  }
0x51: {  	[tilespmem:s18], [sflag:$0x1] =	stream.indirect.gather [hbm4b:s4+s17], $0x80, s30, s17, $0xb8;
	[tilespmem:$0x1F400] =	vst v63  }
0x52: {  	_ =	swait.ge [sflag:s21], $0x1900  }
0x53: {  	[sflag:s21] =	ssyncset.done $0x0  }
0x54: {  	[sflag:s21] =	ssyncadd.s32 $0xFFFFE700  }
0x55: {  	[spmem:s1] =	stream.indirect.scatter.add.f32 [tilespmem:s26], [sflag:$0x2], $0x80, s31, s17, $0xb8;
	[tilespmem:$0x1F400] =	vst v63  }
0x56: {  	_ =	swait.ge [sflag:s29], $0x1900  }
0x57: {  	[sflag:s29] =	ssyncset.done $0x0  }
0x58: {  	s19 =	simm.s32 $0x0;
	[sflag:s29] =	ssyncadd.s32 $0xFFFFE700  }
0x59: {  	[tilespmem:s20], [sflag:$0x1] =	stream.indirect.gather [hbm4b:s4+s17], $0x80, s0, s17, $0xb8;
	[tilespmem:$0x1F400] =	vst v63  }
.LBB2_2:
0x5a: {  	_ =	swait.ge [sflag:s21], $0x1900  }
0x5b: {  	s22 =	sshra.s32 s19, $0x2;
	[sflag:s21] =	ssyncset.done $0x0  }
0x5c: {  	s24 =	sadd.s32 $0x2CA0, s22;
	[sflag:s21] =	ssyncadd.s32 $0xFFFFE700  }
0x5d: {  	[spmem:s1] =	stream.indirect.scatter.add.f32 [tilespmem:s18], [sflag:$0x2], $0x80, s24, s17, $0xb8;
	[tilespmem:$0x1F400] =	vst v63  }
0x5e: {  	_ =	swait.ge [sflag:s29], $0x1900  }
0x5f: {  	[sflag:s29] =	ssyncset.done $0x0  }
0x60: {  	s25 =	sadd.s32 $0x150, s22;
	[sflag:s29] =	ssyncadd.s32 $0xFFFFE700  }
0x61: {  	[tilespmem:s23], [sflag:$0x1] =	stream.indirect.gather [hbm4b:s4+s17], $0x80, s25, s17, $0xb8;
	[tilespmem:$0x1F400] =	vst v63  }
0x62: {  	_ =	swait.ge [sflag:s21], $0x1900  }
0x63: {  	[sflag:s21] =	ssyncset.done $0x0  }
0x64: {  	s25 =	sadd.s32 $0x2CD8, s22;
	[sflag:s21] =	ssyncadd.s32 $0xFFFFE700  }
0x65: {  	[spmem:s1] =	stream.indirect.scatter.add.f32 [tilespmem:s20], [sflag:$0x2], $0x80, s25, s17, $0xb8;
	[tilespmem:$0x1F400] =	vst v63  }
0x66: {  	_ =	swait.ge [sflag:s29], $0x1900  }
0x67: {  	[sflag:s29] =	ssyncset.done $0x0  }
0x68: {  	s25 =	sadd.s32 $0x188, s22;
	[sflag:s29] =	ssyncadd.s32 $0xFFFFE700  }
0x69: {  	[tilespmem:s26], [sflag:$0x1] =	stream.indirect.gather [hbm4b:s4+s17], $0x80, s25, s17, $0xb8;
	[tilespmem:$0x1F400] =	vst v63  }
0x6a: {  	_ =	swait.ge [sflag:s21], $0x1900  }
0x6b: {  	p1 =	seq.s32 s19, $0xA800;
	[sflag:s21] =	ssyncset.done $0x0  }
.Ltmp2:
0x6c: {  	s25 =	sadd.s32 $0x2D10, s22;
	[sflag:s21] =	ssyncadd.s32 $0xFFFFE700;
	(pc) =	sbr.rel @p1 .LBB2_4-.Ltmp2, $4  }
0x6d: {  	[spmem:s1] =	stream.indirect.scatter.add.f32 [tilespmem:s23], [sflag:$0x2], $0x80, s25, s17, $0xb8;
	[tilespmem:$0x1F400] =	vst v63  }
0x6e: {  	_ =	swait.ge [sflag:s29], $0x1900  }
0x6f: {  	[sflag:s29] =	ssyncset.done $0x0  }
0x70: {  	s24 =	sadd.s32 $0x2D48, s22;
	[sflag:s29] =	ssyncadd.s32 $0xFFFFE700  }
0x71: {  	s25 =	sadd.s32 $0x1C0, s22  }
0x72: {  	[tilespmem:s18], [sflag:$0x1] =	stream.indirect.gather [hbm4b:s4+s17], $0x80, s25, s17, $0xb8;
	[tilespmem:$0x1F400] =	vst v63  }
0x73: {  	_ =	swait.ge [sflag:s21], $0x1900  }
0x74: {  	[sflag:s21] =	ssyncset.done $0x0  }
0x75: {  	[sflag:s21] =	ssyncadd.s32 $0xFFFFE700  }
0x76: {  	[spmem:s1] =	stream.indirect.scatter.add.f32 [tilespmem:s26], [sflag:$0x2], $0x80, s24, s17, $0xb8;
	[tilespmem:$0x1F400] =	vst v63  }
.Ltmp3:
0x77: {  	_ = 	snop;
	(pc) =	sbr.rel .LBB2_2-.Ltmp3, $4  }
0x78: {  	_ =	swait.ge [sflag:s29], $0x1900  }
0x79: {  	[sflag:s29] =	ssyncset.done $0x0  }
0x7a: {  	s19 =	sadd.s32 $0x380, s19;
	s25 =	sadd.s32 $0x1F8, s22;
	[sflag:s29] =	ssyncadd.s32 $0xFFFFE700  }
0x7b: {  	[tilespmem:s20], [sflag:$0x1] =	stream.indirect.gather [hbm4b:s4+s17], $0x80, s25, s17, $0xb8;
	[tilespmem:$0x1F400] =	vst v63  }
.LBB2_5:
0x7c: {  	_ =	sfence.sel $0x180000  }
0x7d: {  	[bflag:$0x0] =	sbarrier.arrive $0xFFFF  }
0x7e: {  	_ =	strace $0x90000047  }
0x7f: {  	s0 =	stileid.u32;
	[bflag:$0x2] =	sbarrier.arrive $0xFFFF  }
0x80: {  	p0 =	sne.s32 s0, $0x0;
	s0 =	rddreg [dreg:$0x2]  }
0x81: {  	s0 =	sadd.s32 @!p0 $0x100000, s0  }
0x82: {  	[sflag:s0] =	ssyncadd.tile.s32 @!p0 $0x1;
	_ =	shalt  }
.Lfunc_end2:
_tile_overlayer_lowered:
.L_overlay_start_2:
0x83: {  	(tag) =	ssettag $0x2  }
0x84: {  	s0 =	rddreg [dreg:$0x0];
	s2 =	stileid.u32  }
0x85: {  	s1 =	rddreg [dreg:$0x1];
	p0 =	sne.s32 s2, $0x0  }
0x86: {  	s3 =	rddreg [dreg:$0x2];
	[bflag:$0x3] =	sbarrier.arrive $0xFFFF;
	s2 =	simm.s32 @!p0 $0x1C03  }
0x87: {  	[timem:s3], [sflag:s2] =	dma.local @!p0 [hbm:s0], s1  }
0x88: {  	s0 =	simm.s32 @!p0 $0x3  }
0x89: {  	_ =	swait.ge @!p0 [sflag:s0], s1  }
0x8a: {  	s1 =	ssub.s32 @!p0 $0x0, s1;
	[sflag:s0] =	ssyncset.done @!p0 $0x0  }
0x8b: {  	[sflag:s0] =	ssyncadd.s32 @!p0 s1  }
0x8c: {  	[bflag:$0x3] =	sbarrier.arrive $0xFFFF  }
0x8d: {  	_ =	shalt  }

</sc_bundles>
